<compile_context>
chip_gen: v7x
topology: tpu7x:2x2x1
jax: 0.10.2.dev20260603
libtpu: 0.0.44.dev20260713+nightly
codegen_flags: <defaults>
</compile_context>

<pallas_src>
import dataclasses

import jax
import jax.numpy as jnp
from jax.experimental import pallas as pl
from jax.experimental.pallas import tpu as pltpu
from jax.experimental.pallas import tpu_sc as plsc

_M, _NC, _K = 1024, 512, 32
_HI = jax.lax.Precision.HIGHEST
_DEF = jax.lax.Precision.DEFAULT
_DIM1 = (((1,), (1,)), ((), ()))
_DIMC0 = (((1,), (0,)), ((), ()))


def _rank_desc_row(x_col, x_row, lt_mat, ones_row):
    hit = (x_col > x_row) | ((x_col == x_row) & lt_mat)
    r = jnp.where(hit, 1.0, 0.0)
    s = jax.lax.dot_general(ones_row, r, _DIMC0, precision=_DEF)
    return s.astype(jnp.int32)


def _rank_desc_row_key(k_col, k_row, ones_row):
    r = jnp.where(k_col > k_row, 1.0, 0.0)
    s = jax.lax.dot_general(ones_row, r, _DIMC0, precision=_DEF)
    return s.astype(jnp.int32)


def _main_body(theta_ref, seed_ref, ic_hbm, fc_ref,
               t12_ref, vals_ref, ranks_ref, ic_ref, ic_sem):
    ic_copy = pltpu.make_async_copy(ic_hbm, ic_ref, ic_sem)
    ic_copy.start()
    theta_ls = jnp.log(jax.nn.sigmoid(theta_ref[...]))
    e3i = jax.lax.broadcasted_iota(jnp.int32, (3, 3), 0)
    e3j = jax.lax.broadcasted_iota(jnp.int32, (3, 3), 1)
    eye3 = (e3i == e3j).astype(jnp.float32)
    theta_t = jax.lax.dot_general(eye3, theta_ls, _DIM1, precision=_HI)
    t0 = theta_t[0:1, :]
    t1 = theta_t[1:2, :]
    t2 = theta_t[2:3, :]
    c0 = jnp.sum(t0)
    u = t1 - t0
    v = t0 - 2.0 * t1 + t2

    fc = fc_ref[...]
    s_col = jax.lax.dot_general(fc, u, _DIM1, precision=_HI)
    s_row = jax.lax.dot_general(u, fc, _DIM1, precision=_HI)
    g = jax.lax.dot_general(fc * v, fc, _DIM1, precision=_HI)
    p = c0 + s_col + s_row + g
    i_idx = jax.lax.broadcasted_iota(jnp.int32, (_NC, _NC), 0)
    j_idx = jax.lax.broadcasted_iota(jnp.int32, (_NC, _NC), 1)
    p = jnp.where(i_idx == j_idx, 0.0, p)
    e = jnp.exp(p)

    sp = seed_ref[...].reshape(1, _NC)
    sp_max = jnp.max(sp)
    es = jnp.exp(sp - sp_max)
    seed_row = es / jnp.sum(es)
    ic_copy.wait()
    mask = (ic_ref[...] == 1).astype(jnp.float32)
    group_sum = jax.lax.dot_general(mask, seed_row, _DIM1, precision=_HI)
    w = mask * (seed_row / group_sum)

    s_mat = jax.lax.dot_general(w, e, _DIMC0, precision=_DEF)

    loss = -jnp.sum(jnp.log(jnp.where(mask > 0, s_mat, 1.0 - s_mat)))

    ones_m = jnp.ones((1, _M), dtype=jnp.float32)
    ones_nc = jnp.ones((1, _NC), dtype=jnp.float32)
    d_x_row = jax.lax.dot_general(ones_m, s_mat, _DIMC0, precision=_DEF)
    d_y_row = jax.lax.dot_general(ones_m, mask, _DIMC0, precision=_DEF)
    s_x_row = jax.lax.dot_general(ones_nc, s_mat, _DIM1, precision=_DEF)
    s_y_row = jax.lax.dot_general(ones_nc, mask, _DIM1, precision=_DEF)
    d_x_col = jnp.transpose(d_x_row)
    s_x_col = jnp.transpose(s_x_row)
    idx_nc = jax.lax.broadcasted_iota(
        jnp.int32, (1, _NC), 1).astype(jnp.float32)
    idx_m = jax.lax.broadcasted_iota(
        jnp.int32, (1, _M), 1).astype(jnp.float32)
    d_y_key = d_y_row * (2.0 * _M) + ((2.0 * _M - 1.0) - idx_nc)
    s_y_key = s_y_row * (2.0 * _M) + ((2.0 * _M - 1.0) - idx_m)
    d_y_kcol = jnp.transpose(d_y_key)
    s_y_kcol = jnp.transpose(s_y_key)
    lt_nc = (jax.lax.broadcasted_iota(jnp.int32, (_NC, _NC), 0)
             < jax.lax.broadcasted_iota(jnp.int32, (_NC, _NC), 1))
    lt_m = (jax.lax.broadcasted_iota(jnp.int32, (_M, _M), 0)
            < jax.lax.broadcasted_iota(jnp.int32, (_M, _M), 1))

    t12_ref[...] = jnp.full((1, 16), loss, dtype=jnp.float32)
    vals_ref[0:1, 0:_NC] = d_x_row
    vals_ref[0:1, _NC:2 * _NC] = d_y_row
    vals_ref[0:1, 2 * _NC:2 * _NC + _M] = s_x_row
    vals_ref[0:1, 2 * _NC + _M:2 * _NC + 2 * _M] = s_y_row
    ranks_ref[0:1, 0:_NC] = _rank_desc_row(d_x_col, d_x_row, lt_nc, ones_nc)
    ranks_ref[0:1, _NC:2 * _NC] = _rank_desc_row_key(d_y_kcol, d_y_key,
                                                     ones_nc)
    ranks_ref[0:1, 2 * _NC:2 * _NC + _M] = _rank_desc_row(s_x_col, s_x_row,
                                                          lt_m, ones_m)
    ranks_ref[0:1, 2 * _NC + _M:2 * _NC + 2 * _M] = _rank_desc_row_key(
        s_y_kcol, s_y_key, ones_m)


def _sc_sort_loss(vals, ranks, t12v):
    mesh = plsc.VectorSubcoreMesh(core_axis_name="c", subcore_axis_name="s")
    cp = pltpu.CompilerParams()
    if "needs_layout_passes" in pltpu.CompilerParams.__dataclass_fields__:
        cp = dataclasses.replace(cp, needs_layout_passes=False)

    @pl.kernel(
        compiler_params=cp,
        out_type=jax.ShapeDtypeStruct((2, 16, 16), jnp.float32),
        mesh=mesh,
        scratch_types=[
            pltpu.VMEM((2 * _M,), jnp.float32),
            pltpu.VMEM((2 * _M,), jnp.int32),
            pltpu.VMEM((_M,), jnp.float32),
            pltpu.VMEM((_M,), jnp.float32),
            pltpu.VMEM((16,), jnp.float32),
            pltpu.VMEM((16,), jnp.float32),
            pltpu.VMEM((16,), jnp.float32),
            pltpu.SemaphoreType.DMA,
            pltpu.SemaphoreType.DMA,
            pltpu.SemaphoreType.DMA,
        ],
    )
    def sort_loss_kernel(vals_hbm, ranks_hbm, t12_hbm, out_hbm,
                         vv, rr, sbx, sby, acc, vt, ov, sem0, sem1, sem2):
        cid = jax.lax.axis_index("c")
        sid = jax.lax.axis_index("s")

        @pl.when(sid == 0)
        def _():
            base = cid * (2 * _NC)
            n = (cid + 1) * _NC
            nchunks = (cid + 1) * (_NC // 16)
            c0 = pltpu.async_copy(vals_hbm.at[0, pl.ds(base, 2 * _M)],
                                  vv.at[pl.ds(0, 2 * _M)], sem0)
            c1 = pltpu.async_copy(ranks_hbm.at[0, pl.ds(base, 2 * _M)],
                                  rr.at[pl.ds(0, 2 * _M)], sem1)
            c2 = pltpu.async_copy(t12_hbm.at[0], vt, sem2)
            acc[...] = jnp.zeros((16,), jnp.float32)
            c0.wait()
            c1.wait()
            c2.wait()

            @pl.loop(0, nchunks)
            def _(c):
                off = c * 16
                plsc.store_scatter(sbx, [rr[pl.ds(off, 16)]],
                                   vv[pl.ds(off, 16)])
                plsc.store_scatter(sby, [rr[pl.ds(n + off, 16)]],
                                   vv[pl.ds(n + off, 16)])

            @pl.loop(0, nchunks)
            def _(c):
                off = c * 16
                d = sbx[pl.ds(off, 16)] - sby[pl.ds(off, 16)]
                acc[...] += d * d

            cid_f = cid.astype(jnp.float32)
            inv_n = (1.0 / _NC) - cid_f * (0.5 / _NC)
            ov[...] = vt[...] * (1.0 - cid_f) + jnp.sum(acc[...]) * inv_n
            pltpu.sync_copy(ov, out_hbm.at[cid, sid])

    return sort_loss_kernel(vals, ranks, t12v)


@jax.jit
def _run(theta_log, seed_prob, Ic, Fc):
    nbuf = 2 * _NC + 2 * _M
    t12, vals, ranks = pl.pallas_call(
        _main_body,
        out_shape=[
            jax.ShapeDtypeStruct((1, 16), jnp.float32),
            jax.ShapeDtypeStruct((1, nbuf), jnp.float32),
            jax.ShapeDtypeStruct((1, nbuf), jnp.int32),
        ],
        in_specs=[
            pl.BlockSpec(memory_space=pltpu.VMEM),
            pl.BlockSpec(memory_space=pltpu.VMEM),
            pl.BlockSpec(memory_space=pl.ANY),
            pl.BlockSpec(memory_space=pltpu.VMEM),
        ],
        scratch_shapes=[
            pltpu.VMEM((_M, _NC), jnp.int32),
            pltpu.SemaphoreType.DMA,
        ],
    )(theta_log, seed_prob, Ic, Fc.astype(jnp.float32))
    out = _sc_sort_loss(vals, ranks, t12)
    return out[0, 0, 0] + out[1, 0, 0]


def kernel(theta_log, seed_prob, Ic, Fc):
    return _run(theta_log, seed_prob, Ic, Fc)

# --- scband reference (transcript-rebuilt; emitter-appended) ---
"""Pipeline reference for scband-core-group-construction-24610162606763 (READ-ONLY COPY).

The authoritative reference and input builder live on the scoring server;
editing this copy changes nothing except your own understanding.
"""

import jax, jax.numpy as jnp
import numpy as np

M, NC, K = 1024, 512, 32
W_D, W_S = 1.0, 1.0


def setup_inputs(seed: int = 0) -> dict:
    key = jax.random.key(seed)
    k1, k2, k3, k4 = jax.random.split(key, 4)
    Ic = jax.random.randint(k1, (M, NC), 0, 2).astype(jnp.int32)
    Fc = jax.random.randint(k2, (NC, K), 0, 2).astype(jnp.int32)
    theta_log = jax.random.normal(k3, (K, 3), dtype=jnp.float32)
    seed_prob = jax.random.normal(k4, (NC,), dtype=jnp.float32)
    return {"theta_log": theta_log, "seed_prob": seed_prob, "Ic": Ic, "Fc": Fc}


def _forward(theta_log, seed_prob, Ic, Fc):
    m, nc = Ic.shape
    mask = (Ic == 1).astype(jnp.float32)
    # theta_c_log_expanded: log(sigmoid(theta_log)).permute(1,0) -> (3, K)
    theta_t = jnp.log(jax.nn.sigmoid(theta_log)).T
    seed = jax.nn.softmax(seed_prob, axis=0)
    # Pairwise core-prob log matrix P[i, j] = sum_k theta[attr_sum(i,j,k)]
    # (edge-independent; in the torch code it is recomputed per edge restricted to group rows)
    attr_sum = Fc[:, None, :] + Fc[None, :, :]  # (nc, nc, K) in {0,1,2}
    P = (theta_t[0][None, None, :] * (attr_sum == 0)
         + theta_t[1][None, None, :] * (attr_sum == 1)
         + theta_t[2][None, None, :] * (attr_sum == 2)).sum(axis=2)  # (nc, nc)
    # torch sets cur_core_prob_log[row, own_index] = 0 for group members == diagonal zeroing
    P = P.at[jnp.arange(nc), jnp.arange(nc)].set(0.0)
    NEG = -1e30
    group_sum = mask @ seed  # (m,)
    # l[e, i] = log(seed_i / sum_{i in group_e} seed_i) for in-group i, else -inf
    l = jnp.where(mask > 0, jnp.log(seed)[None, :] - jnp.log(group_sum)[:, None], NEG)
    # Ic_exp_log[e, j] = logsumexp_i ( l[e, i] + P[i, j] )  (out-of-group i masked via -inf)
    Ic_exp_log = jax.lax.map(lambda le: jax.nn.logsumexp(le[:, None] + P, axis=0), l)
    loss = -jnp.sum(jnp.where(mask > 0, Ic_exp_log, 0.0))
    x_safe = jnp.where(mask > 0, -1.0, Ic_exp_log)
    others = jnp.log1p(-jnp.exp(x_safe))
    loss = loss - jnp.sum(jnp.where(mask > 0, 0.0, others))
    degree_exp = jnp.sort(jnp.exp(jax.nn.logsumexp(Ic_exp_log, axis=0)))[::-1]
    size_exp = jnp.sort(jnp.exp(jax.nn.logsumexp(Ic_exp_log, axis=1)))[::-1]
    degree_answer = jnp.sort(jnp.sum(mask, axis=0))[::-1]
    size_answer = jnp.sort(jnp.sum(mask, axis=1))[::-1]
    degree_loss = jnp.mean((degree_exp - degree_answer) ** 2)
    size_loss = jnp.mean((size_exp - size_answer) ** 2)
    return loss + degree_loss * W_D + size_loss * W_S


def reference(theta_log, seed_prob, Ic, Fc):
    return _forward(theta_log, seed_prob, Ic, Fc)

if __name__ == "__main__":
    import jax
    _d = setup_inputs()
    print(jax.jit(kernel)(*tuple(_d.values())))

</pallas_src>

<mosaic_0001>
#map = affine_map<(d0, d1) -> (0, 0)>
#map1 = affine_map<(d0, d1) -> (0, 0, 0)>
module attributes {stable_mosaic.version = 14 : i64} {
  func.func @sort_loss_kernel(%arg0: i32, %arg1: i32, %arg2: memref<1x3072xf32, #tpu.memory_space<hbm>>, %arg3: memref<1x3072xi32, #tpu.memory_space<hbm>>, %arg4: memref<1x16xf32, #tpu.memory_space<hbm>>, %arg5: memref<2x16x16xf32, #tpu.memory_space<hbm>>, %arg6: memref<2048xf32, #tpu.memory_space<vmem>>, %arg7: memref<2048xi32, #tpu.memory_space<vmem>>, %arg8: memref<1024xf32, #tpu.memory_space<vmem>>, %arg9: memref<1024xf32, #tpu.memory_space<vmem>>, %arg10: memref<16xf32, #tpu.memory_space<vmem>>, %arg11: memref<16xf32, #tpu.memory_space<vmem>>, %arg12: memref<16xf32, #tpu.memory_space<vmem>>, %arg13: memref<!tpu.dma_semaphore, #tpu.memory_space<semaphore_mem>>, %arg14: memref<!tpu.dma_semaphore, #tpu.memory_space<semaphore_mem>>, %arg15: memref<!tpu.dma_semaphore, #tpu.memory_space<semaphore_mem>>) attributes {dimension_semantics = [#tpu.dimension_semantics<core_parallel>, #tpu.dimension_semantics<subcore_parallel>], iteration_bounds = array<i64: 2, 16>, scalar_prefetch = 0 : i64, scratch_operands = 10 : i64, tpu.core_type = #tpu.core_type<sc_vector_subcore>, window_params = [{transform_indices = #map}, {transform_indices = #map}, {transform_indices = #map}, {transform_indices = #map1}]} {
    %eq3A = arith.constant 0 : i32
    %eq3A_0 = arith.cmpi eq, %arg1, %eq3A : i32
    %convert_element_type3A = arith.extui %eq3A_0 : i1 to i32
    %cond3A = arith.constant 0 : i32
    %cond3A_1 = arith.cmpi ne, %convert_element_type3A, %cond3A : i32
    scf.if %cond3A_1 {
      %mul3A = arith.constant 1024 : i32
      %mul3A_2 = arith.muli %arg0, %mul3A : i32
      %add3A = arith.constant 1 : i32
      %add3A_3 = arith.addi %arg0, %add3A : i32
      %mul3A_4 = arith.constant 512 : i32
      %mul3A_5 = arith.muli %add3A_3, %mul3A_4 : i32
      %add3A_6 = arith.constant 1 : i32
      %add3A_7 = arith.addi %arg0, %add3A_6 : i32
      %mul3A_8 = arith.constant 32 : i32
      %mul3A_9 = arith.muli %add3A_7, %mul3A_8 : i32
      %dma_start3A = arith.constant 0 : i32
      %dma_start3A_10 = arith.constant 0 : i32
      %dma_start3A_11 = tpu.memref_slice %arg6[%dma_start3A_10] : memref<2048xf32, #tpu.memory_space<vmem>> -> memref<2048xf32, #tpu.memory_space<vmem>>
      %dma_start3A_12 = tpu.memref_slice %arg2[%dma_start3A, %mul3A_2] : memref<1x3072xf32, #tpu.memory_space<hbm>> -> memref<1x2048xf32, #tpu.memory_space<hbm>>
      %dma_start3A_13 = tpu.memref_squeeze %dma_start3A_12 : memref<1x2048xf32, #tpu.memory_space<hbm>> -> memref<2048xf32, #tpu.memory_space<hbm>>
      %dma_start3A_14 = arith.constant 0 : i32
      %dma_start3A_15 = tpu.memref_slice %arg6[%dma_start3A_14] : memref<2048xf32, #tpu.memory_space<vmem>> -> memref<2048xf32, #tpu.memory_space<vmem>>
      %dma_start3A_16 = tpu.memref_slice %arg2[%dma_start3A, %mul3A_2] : memref<1x3072xf32, #tpu.memory_space<hbm>> -> memref<1x2048xf32, #tpu.memory_space<hbm>>
      %dma_start3A_17 = tpu.memref_squeeze %dma_start3A_16 : memref<1x2048xf32, #tpu.memory_space<hbm>> -> memref<2048xf32, #tpu.memory_space<hbm>>
      tpu.enqueue_dma source(%dma_start3A_17 : memref<2048xf32, #tpu.memory_space<hbm>>) target(%dma_start3A_15 : memref<2048xf32, #tpu.memory_space<vmem>>) target_semaphore(%arg13 : memref<!tpu.dma_semaphore, #tpu.memory_space<semaphore_mem>>)
      %dma_start3A_18 = arith.constant 0 : i32
      %dma_start3A_19 = arith.constant 0 : i32
      %dma_start3A_20 = tpu.memref_slice %arg7[%dma_start3A_19] : memref<2048xi32, #tpu.memory_space<vmem>> -> memref<2048xi32, #tpu.memory_space<vmem>>
      %dma_start3A_21 = tpu.memref_slice %arg3[%dma_start3A_18, %mul3A_2] : memref<1x3072xi32, #tpu.memory_space<hbm>> -> memref<1x2048xi32, #tpu.memory_space<hbm>>
      %dma_start3A_22 = tpu.memref_squeeze %dma_start3A_21 : memref<1x2048xi32, #tpu.memory_space<hbm>> -> memref<2048xi32, #tpu.memory_space<hbm>>
      %dma_start3A_23 = arith.constant 0 : i32
      %dma_start3A_24 = tpu.memref_slice %arg7[%dma_start3A_23] : memref<2048xi32, #tpu.memory_space<vmem>> -> memref<2048xi32, #tpu.memory_space<vmem>>
      %dma_start3A_25 = tpu.memref_slice %arg3[%dma_start3A_18, %mul3A_2] : memref<1x3072xi32, #tpu.memory_space<hbm>> -> memref<1x2048xi32, #tpu.memory_space<hbm>>
      %dma_start3A_26 = tpu.memref_squeeze %dma_start3A_25 : memref<1x2048xi32, #tpu.memory_space<hbm>> -> memref<2048xi32, #tpu.memory_space<hbm>>
      tpu.enqueue_dma source(%dma_start3A_26 : memref<2048xi32, #tpu.memory_space<hbm>>) target(%dma_start3A_24 : memref<2048xi32, #tpu.memory_space<vmem>>) target_semaphore(%arg14 : memref<!tpu.dma_semaphore, #tpu.memory_space<semaphore_mem>>)
      %dma_start3A_27 = arith.constant 0 : i32
      %dma_start3A_28 = arith.constant 0 : i32
      %dma_start3A_29 = tpu.memref_slice %arg4[%dma_start3A_27, %dma_start3A_28] : memref<1x16xf32, #tpu.memory_space<hbm>> -> memref<1x16xf32, #tpu.memory_space<hbm>>
      %dma_start3A_30 = tpu.memref_squeeze %dma_start3A_29 : memref<1x16xf32, #tpu.memory_space<hbm>> -> memref<16xf32, #tpu.memory_space<hbm>>
      %dma_start3A_31 = arith.constant 0 : i32
      %dma_start3A_32 = tpu.memref_slice %arg4[%dma_start3A_27, %dma_start3A_31] : memref<1x16xf32, #tpu.memory_space<hbm>> -> memref<1x16xf32, #tpu.memory_space<hbm>>
      %dma_start3A_33 = tpu.memref_squeeze %dma_start3A_32 : memref<1x16xf32, #tpu.memory_space<hbm>> -> memref<16xf32, #tpu.memory_space<hbm>>
      tpu.enqueue_dma source(%dma_start3A_33 : memref<16xf32, #tpu.memory_space<hbm>>) target(%arg11 : memref<16xf32, #tpu.memory_space<vmem>>) target_semaphore(%arg15 : memref<!tpu.dma_semaphore, #tpu.memory_space<semaphore_mem>>)
      %broadcast_in_dim3A = arith.constant 0.000000e+00 : f32
      %broadcast_in_dim3A_34 = vector.broadcast %broadcast_in_dim3A : f32 to vector<16xf32>
      %swap3A = arith.constant 0 : index
      %swap3A_35 = tpu.vector_load %arg10[%swap3A] {strides = array<i32>} : memref<16xf32, #tpu.memory_space<vmem>>, vector<16xf32>,
      tpu.vector_store %arg10[%swap3A], %broadcast_in_dim3A_34 {strides = array<i32>} : memref<16xf32, #tpu.memory_space<vmem>>, vector<16xf32>,
      %dma_wait3A = arith.constant 0 : i32
      %dma_wait3A_36 = arith.constant 0 : i32
      %dma_wait3A_37 = tpu.memref_slice %arg6[%dma_wait3A_36] : memref<2048xf32, #tpu.memory_space<vmem>> -> memref<2048xf32, #tpu.memory_space<vmem>>
      %dma_wait3A_38 = tpu.memref_slice %arg2[%dma_wait3A, %mul3A_2] : memref<1x3072xf32, #tpu.memory_space<hbm>> -> memref<1x2048xf32, #tpu.memory_space<hbm>>
      %dma_wait3A_39 = tpu.memref_squeeze %dma_wait3A_38 : memref<1x2048xf32, #tpu.memory_space<hbm>> -> memref<2048xf32, #tpu.memory_space<hbm>>
      %dma_wait3A_40 = arith.constant 0 : i32
      %dma_wait3A_41 = tpu.memref_slice %arg6[%dma_wait3A_40] : memref<2048xf32, #tpu.memory_space<vmem>> -> memref<2048xf32, #tpu.memory_space<vmem>>
      %dma_wait3A_42 = tpu.memref_slice %arg2[%dma_wait3A, %mul3A_2] : memref<1x3072xf32, #tpu.memory_space<hbm>> -> memref<1x2048xf32, #tpu.memory_space<hbm>>
      %dma_wait3A_43 = tpu.memref_squeeze %dma_wait3A_42 : memref<1x2048xf32, #tpu.memory_space<hbm>> -> memref<2048xf32, #tpu.memory_space<hbm>>
      tpu.wait_dma2 semaphore(%arg13 : memref<!tpu.dma_semaphore, #tpu.memory_space<semaphore_mem>>) src(%dma_wait3A_43 : memref<2048xf32, #tpu.memory_space<hbm>>) dst(%dma_wait3A_41 : memref<2048xf32, #tpu.memory_space<vmem>>)
      %dma_wait3A_44 = arith.constant 0 : i32
      %dma_wait3A_45 = arith.constant 0 : i32
      %dma_wait3A_46 = tpu.memref_slice %arg7[%dma_wait3A_45] : memref<2048xi32, #tpu.memory_space<vmem>> -> memref<2048xi32, #tpu.memory_space<vmem>>
      %dma_wait3A_47 = tpu.memref_slice %arg3[%dma_wait3A_44, %mul3A_2] : memref<1x3072xi32, #tpu.memory_space<hbm>> -> memref<1x2048xi32, #tpu.memory_space<hbm>>
      %dma_wait3A_48 = tpu.memref_squeeze %dma_wait3A_47 : memref<1x2048xi32, #tpu.memory_space<hbm>> -> memref<2048xi32, #tpu.memory_space<hbm>>
      %dma_wait3A_49 = arith.constant 0 : i32
      %dma_wait3A_50 = tpu.memref_slice %arg7[%dma_wait3A_49] : memref<2048xi32, #tpu.memory_space<vmem>> -> memref<2048xi32, #tpu.memory_space<vmem>>
      %dma_wait3A_51 = tpu.memref_slice %arg3[%dma_wait3A_44, %mul3A_2] : memref<1x3072xi32, #tpu.memory_space<hbm>> -> memref<1x2048xi32, #tpu.memory_space<hbm>>
      %dma_wait3A_52 = tpu.memref_squeeze %dma_wait3A_51 : memref<1x2048xi32, #tpu.memory_space<hbm>> -> memref<2048xi32, #tpu.memory_space<hbm>>
      tpu.wait_dma2 semaphore(%arg14 : memref<!tpu.dma_semaphore, #tpu.memory_space<semaphore_mem>>) src(%dma_wait3A_52 : memref<2048xi32, #tpu.memory_space<hbm>>) dst(%dma_wait3A_50 : memref<2048xi32, #tpu.memory_space<vmem>>)
      %dma_wait3A_53 = arith.constant 0 : i32
      %dma_wait3A_54 = arith.constant 0 : i32
      %dma_wait3A_55 = tpu.memref_slice %arg4[%dma_wait3A_53, %dma_wait3A_54] : memref<1x16xf32, #tpu.memory_space<hbm>> -> memref<1x16xf32, #tpu.memory_space<hbm>>
      %dma_wait3A_56 = tpu.memref_squeeze %dma_wait3A_55 : memref<1x16xf32, #tpu.memory_space<hbm>> -> memref<16xf32, #tpu.memory_space<hbm>>
      %dma_wait3A_57 = arith.constant 0 : i32
      %dma_wait3A_58 = tpu.memref_slice %arg4[%dma_wait3A_53, %dma_wait3A_57] : memref<1x16xf32, #tpu.memory_space<hbm>> -> memref<1x16xf32, #tpu.memory_space<hbm>>
      %dma_wait3A_59 = tpu.memref_squeeze %dma_wait3A_58 : memref<1x16xf32, #tpu.memory_space<hbm>> -> memref<16xf32, #tpu.memory_space<hbm>>
      tpu.wait_dma2 semaphore(%arg15 : memref<!tpu.dma_semaphore, #tpu.memory_space<semaphore_mem>>) src(%dma_wait3A_59 : memref<16xf32, #tpu.memory_space<hbm>>) dst(%arg11 : memref<16xf32, #tpu.memory_space<vmem>>)
      %sub3A = arith.constant 0 : i32
      %sub3A_60 = arith.subi %mul3A_9, %sub3A : i32
      %sub3A_61 = arith.constant 1 : i32
      %sub3A_62 = arith.constant 1 : i32
      %sub3A_63 = arith.subi %sub3A_61, %sub3A_62 : i32
      %add3A_64 = arith.addi %sub3A_60, %sub3A_63 : i32
      %div3A = arith.constant 1 : i32
      %div3A_65 = arith.divsi %add3A_64, %div3A : i32
      %while3A = arith.constant 1 : i32
      %while3A_66 = arith.constant 0 : i32
      %while3A_67 = arith.constant 0 : i32
      %while3A_68 = arith.subi %div3A_65, %while3A_67 : i32
      %while3A_69 = arith.addi %while3A_67, %while3A_68 : i32
      %while3A_70 = arith.constant 1 : i32
      %while3A_71 = arith.divsi %while3A_68, %while3A_70 : i32
      %while3A_72 = arith.muli %while3A_71, %while3A_70 : i32
      %while3A_73 = arith.addi %while3A_67, %while3A_72 : i32
      %while3A_74 = arith.constant 1 : i32
      scf.for %while3A_115 = %while3A_67 to %while3A_73 step %while3A_74  : i32 {
        %mul3A_116 = arith.muli %while3A_115, %while3A : i32
        %add3A_117 = arith.addi %while3A_66, %mul3A_116 : i32
        %mul3A_118 = arith.constant 16 : i32
        %mul3A_119 = arith.muli %add3A_117, %mul3A_118 : i32
        %get3A_120 = arith.index_cast %mul3A_119 : i32 to index
        %get3A_121 = tpu.vector_load %arg7[%get3A_120] {strides = array<i32>} : memref<2048xi32, #tpu.memory_space<vmem>>, vector<16xi32>,
        %get3A_122 = arith.index_cast %mul3A_119 : i32 to index
        %get3A_123 = tpu.vector_load %arg6[%get3A_122] {strides = array<i32>} : memref<2048xf32, #tpu.memory_space<vmem>>, vector<16xf32>,
        tpu.vector_store_idx %arg8[%get3A_121], %get3A_123 : memref<1024xf32, #tpu.memory_space<vmem>>[vector<16xi32>], vector<16xf32>,
        %add3A_124 = arith.addi %mul3A_5, %mul3A_119 : i32
        %get3A_125 = arith.index_cast %add3A_124 : i32 to index
        %get3A_126 = tpu.vector_load %arg7[%get3A_125] {strides = array<i32>} : memref<2048xi32, #tpu.memory_space<vmem>>, vector<16xi32>,
        %add3A_127 = arith.addi %mul3A_5, %mul3A_119 : i32
        %get3A_128 = arith.index_cast %add3A_127 : i32 to index
        %get3A_129 = tpu.vector_load %arg6[%get3A_128] {strides = array<i32>} : memref<2048xf32, #tpu.memory_space<vmem>>, vector<16xf32>,
        tpu.vector_store_idx %arg9[%get3A_126], %get3A_129 : memref<1024xf32, #tpu.memory_space<vmem>>[vector<16xi32>], vector<16xf32>,
      }
      %while3A_75 = arith.constant 1 : i32
      scf.for %while3A_115 = %while3A_73 to %while3A_69 step %while3A_75  : i32 {
        %mul3A_116 = arith.muli %while3A_115, %while3A : i32
        %add3A_117 = arith.addi %while3A_66, %mul3A_116 : i32
        %mul3A_118 = arith.constant 16 : i32
        %mul3A_119 = arith.muli %add3A_117, %mul3A_118 : i32
        %get3A_120 = arith.index_cast %mul3A_119 : i32 to index
        %get3A_121 = tpu.vector_load %arg7[%get3A_120] {strides = array<i32>} : memref<2048xi32, #tpu.memory_space<vmem>>, vector<16xi32>,
        %get3A_122 = arith.index_cast %mul3A_119 : i32 to index
        %get3A_123 = tpu.vector_load %arg6[%get3A_122] {strides = array<i32>} : memref<2048xf32, #tpu.memory_space<vmem>>, vector<16xf32>,
        tpu.vector_store_idx %arg8[%get3A_121], %get3A_123 : memref<1024xf32, #tpu.memory_space<vmem>>[vector<16xi32>], vector<16xf32>,
        %add3A_124 = arith.addi %mul3A_5, %mul3A_119 : i32
        %get3A_125 = arith.index_cast %add3A_124 : i32 to index
        %get3A_126 = tpu.vector_load %arg7[%get3A_125] {strides = array<i32>} : memref<2048xi32, #tpu.memory_space<vmem>>, vector<16xi32>,
        %add3A_127 = arith.addi %mul3A_5, %mul3A_119 : i32
        %get3A_128 = arith.index_cast %add3A_127 : i32 to index
        %get3A_129 = tpu.vector_load %arg6[%get3A_128] {strides = array<i32>} : memref<2048xf32, #tpu.memory_space<vmem>>, vector<16xf32>,
        tpu.vector_store_idx %arg9[%get3A_126], %get3A_129 : memref<1024xf32, #tpu.memory_space<vmem>>[vector<16xi32>], vector<16xf32>,
      }
      %sub3A_76 = arith.constant 0 : i32
      %sub3A_77 = arith.subi %mul3A_9, %sub3A_76 : i32
      %sub3A_78 = arith.constant 1 : i32
      %sub3A_79 = arith.constant 1 : i32
      %sub3A_80 = arith.subi %sub3A_78, %sub3A_79 : i32
      %add3A_81 = arith.addi %sub3A_77, %sub3A_80 : i32
      %div3A_82 = arith.constant 1 : i32
      %div3A_83 = arith.divsi %add3A_81, %div3A_82 : i32
      %while3A_84 = arith.constant 1 : i32
      %while3A_85 = arith.constant 0 : i32
      %while3A_86 = arith.constant 0 : i32
      %while3A_87 = arith.subi %div3A_83, %while3A_86 : i32
      %while3A_88 = arith.addi %while3A_86, %while3A_87 : i32
      %while3A_89 = arith.constant 1 : i32
      %while3A_90 = arith.divsi %while3A_87, %while3A_89 : i32
      %while3A_91 = arith.muli %while3A_90, %while3A_89 : i32
      %while3A_92 = arith.addi %while3A_86, %while3A_91 : i32
      %while3A_93 = arith.constant 1 : i32
      scf.for %while3A_115 = %while3A_86 to %while3A_92 step %while3A_93  : i32 {
        %mul3A_116 = arith.muli %while3A_115, %while3A_84 : i32
        %add3A_117 = arith.addi %while3A_85, %mul3A_116 : i32
        %mul3A_118 = arith.constant 16 : i32
        %mul3A_119 = arith.muli %add3A_117, %mul3A_118 : i32
        %get3A_120 = arith.index_cast %mul3A_119 : i32 to index
        %get3A_121 = tpu.vector_load %arg8[%get3A_120] {strides = array<i32>} : memref<1024xf32, #tpu.memory_space<vmem>>, vector<16xf32>,
        %get3A_122 = arith.index_cast %mul3A_119 : i32 to index
        %get3A_123 = tpu.vector_load %arg9[%get3A_122] {strides = array<i32>} : memref<1024xf32, #tpu.memory_space<vmem>>, vector<16xf32>,
        %sub3A_124 = arith.subf %get3A_121, %get3A_123 : vector<16xf32>
        %get3A_125 = arith.constant 0 : index
        %get3A_126 = tpu.vector_load %arg10[%get3A_125] {strides = array<i32>} : memref<16xf32, #tpu.memory_space<vmem>>, vector<16xf32>,
        %mul3A_127 = arith.mulf %sub3A_124, %sub3A_124 : vector<16xf32>
        %add3A_128 = arith.addf %get3A_126, %mul3A_127 : vector<16xf32>
        %swap3A_129 = arith.constant 0 : index
        %swap3A_130 = tpu.vector_load %arg10[%swap3A_129] {strides = array<i32>} : memref<16xf32, #tpu.memory_space<vmem>>, vector<16xf32>,
        tpu.vector_store %arg10[%swap3A_129], %add3A_128 {strides = array<i32>} : memref<16xf32, #tpu.memory_space<vmem>>, vector<16xf32>,
      }
      %while3A_94 = arith.constant 1 : i32
      scf.for %while3A_115 = %while3A_92 to %while3A_88 step %while3A_94  : i32 {
        %mul3A_116 = arith.muli %while3A_115, %while3A_84 : i32
        %add3A_117 = arith.addi %while3A_85, %mul3A_116 : i32
        %mul3A_118 = arith.constant 16 : i32
        %mul3A_119 = arith.muli %add3A_117, %mul3A_118 : i32
        %get3A_120 = arith.index_cast %mul3A_119 : i32 to index
        %get3A_121 = tpu.vector_load %arg8[%get3A_120] {strides = array<i32>} : memref<1024xf32, #tpu.memory_space<vmem>>, vector<16xf32>,
        %get3A_122 = arith.index_cast %mul3A_119 : i32 to index
        %get3A_123 = tpu.vector_load %arg9[%get3A_122] {strides = array<i32>} : memref<1024xf32, #tpu.memory_space<vmem>>, vector<16xf32>,
        %sub3A_124 = arith.subf %get3A_121, %get3A_123 : vector<16xf32>
        %get3A_125 = arith.constant 0 : index
        %get3A_126 = tpu.vector_load %arg10[%get3A_125] {strides = array<i32>} : memref<16xf32, #tpu.memory_space<vmem>>, vector<16xf32>,
        %mul3A_127 = arith.mulf %sub3A_124, %sub3A_124 : vector<16xf32>
        %add3A_128 = arith.addf %get3A_126, %mul3A_127 : vector<16xf32>
        %swap3A_129 = arith.constant 0 : index
        %swap3A_130 = tpu.vector_load %arg10[%swap3A_129] {strides = array<i32>} : memref<16xf32, #tpu.memory_space<vmem>>, vector<16xf32>,
        tpu.vector_store %arg10[%swap3A_129], %add3A_128 {strides = array<i32>} : memref<16xf32, #tpu.memory_space<vmem>>, vector<16xf32>,
      }
      %convert_element_type3A_95 = arith.sitofp %arg0 : i32 to f32
      %mul3A_96 = arith.constant 9.765625E-4 : f32
      %mul3A_97 = arith.mulf %convert_element_type3A_95, %mul3A_96 : f32
      %sub3A_98 = arith.constant 0.001953125 : f32
      %sub3A_99 = arith.subf %sub3A_98, %mul3A_97 : f32
      %get3A = arith.constant 0 : index
      %get3A_100 = tpu.vector_load %arg11[%get3A] {strides = array<i32>} : memref<16xf32, #tpu.memory_space<vmem>>, vector<16xf32>,
      %sub3A_101 = arith.constant 1.000000e+00 : f32
      %sub3A_102 = arith.subf %sub3A_101, %convert_element_type3A_95 : f32
      %mul3A_103 = vector.broadcast %sub3A_102 : f32 to vector<16xf32>
      %mul3A_104 = arith.mulf %get3A_100, %mul3A_103 : vector<16xf32>
      %get3A_105 = arith.constant 0 : index
      %get3A_106 = tpu.vector_load %arg10[%get3A_105] {strides = array<i32>} : memref<16xf32, #tpu.memory_space<vmem>>, vector<16xf32>,
      %reduce_sum3A = arith.constant true
      %reduce_sum3A_107 = vector.broadcast %reduce_sum3A : i1 to vector<16xi1>
      %reduce_sum3A_108 = tpu.scan <sum>, %get3A_106 masked %reduce_sum3A_107 : vector<16xf32>, vector<16xi1> -> vector<16xf32>
      %reduce_sum3A_109 = vector.extract %reduce_sum3A_108[15] : f32 from vector<16xf32>
      %mul3A_110 = arith.mulf %reduce_sum3A_109, %sub3A_99 : f32
      %add3A_111 = vector.broadcast %mul3A_110 : f32 to vector<16xf32>
      %add3A_112 = arith.addf %mul3A_104, %add3A_111 : vector<16xf32>
      %swap3A_113 = arith.constant 0 : index
      %swap3A_114 = tpu.vector_load %arg12[%swap3A_113] {strides = array<i32>} : memref<16xf32, #tpu.memory_space<vmem>>, vector<16xf32>,
      tpu.vector_store %arg12[%swap3A_113], %add3A_112 {strides = array<i32>} : memref<16xf32, #tpu.memory_space<vmem>>, vector<16xf32>,
      "tpu.region"() ({
        %run_scoped3A = tpu.sem_alloc : memref<!tpu.dma_semaphore, #tpu.memory_space<semaphore_mem>>
        %dma_start3A_115 = arith.constant 0 : i32
        %dma_start3A_116 = tpu.memref_slice %arg5[%arg0, %arg1, %dma_start3A_115] : memref<2x16x16xf32, #tpu.memory_space<hbm>> -> memref<1x1x16xf32, #tpu.memory_space<hbm>>
        %dma_start3A_117 = tpu.memref_squeeze %dma_start3A_116 : memref<1x1x16xf32, #tpu.memory_space<hbm>> -> memref<16xf32, #tpu.memory_space<hbm>>
        %dma_start3A_118 = arith.constant 0 : i32
        %dma_start3A_119 = tpu.memref_slice %arg5[%arg0, %arg1, %dma_start3A_118] : memref<2x16x16xf32, #tpu.memory_space<hbm>> -> memref<1x1x16xf32, #tpu.memory_space<hbm>>
        %dma_start3A_120 = tpu.memref_squeeze %dma_start3A_119 : memref<1x1x16xf32, #tpu.memory_space<hbm>> -> memref<16xf32, #tpu.memory_space<hbm>>
        tpu.enqueue_dma source(%arg12 : memref<16xf32, #tpu.memory_space<vmem>>) target(%dma_start3A_120 : memref<16xf32, #tpu.memory_space<hbm>>) target_semaphore(%run_scoped3A : memref<!tpu.dma_semaphore, #tpu.memory_space<semaphore_mem>>)
        %dma_wait3A_121 = arith.constant 0 : i32
        %dma_wait3A_122 = tpu.memref_slice %arg5[%arg0, %arg1, %dma_wait3A_121] : memref<2x16x16xf32, #tpu.memory_space<hbm>> -> memref<1x1x16xf32, #tpu.memory_space<hbm>>
        %dma_wait3A_123 = tpu.memref_squeeze %dma_wait3A_122 : memref<1x1x16xf32, #tpu.memory_space<hbm>> -> memref<16xf32, #tpu.memory_space<hbm>>
        %dma_wait3A_124 = arith.constant 0 : i32
        %dma_wait3A_125 = tpu.memref_slice %arg5[%arg0, %arg1, %dma_wait3A_124] : memref<2x16x16xf32, #tpu.memory_space<hbm>> -> memref<1x1x16xf32, #tpu.memory_space<hbm>>
        %dma_wait3A_126 = tpu.memref_squeeze %dma_wait3A_125 : memref<1x1x16xf32, #tpu.memory_space<hbm>> -> memref<16xf32, #tpu.memory_space<hbm>>
        tpu.wait_dma2 semaphore(%run_scoped3A : memref<!tpu.dma_semaphore, #tpu.memory_space<semaphore_mem>>) src(%arg12 : memref<16xf32, #tpu.memory_space<vmem>>) dst(%dma_wait3A_126 : memref<16xf32, #tpu.memory_space<hbm>>)
        tpu.yield
      }) : () -> ()
    } else {
    }
    return
  }
}

module attributes {stable_mosaic.version = 14 : i64} {
  func.func @_main_body(%arg0: memref<32x3xf32, #tpu.memory_space<vmem>>, %arg1: memref<512xf32, #tpu.memory_space<vmem>>, %arg2: memref<1024x512xi32, #tpu.memory_space<any>>, %arg3: memref<512x32xf32, #tpu.memory_space<vmem>>, %arg4: memref<1x16xf32, #tpu.memory_space<vmem>>, %arg5: memref<1x3072xf32, #tpu.memory_space<vmem>>, %arg6: memref<1x3072xi32, #tpu.memory_space<vmem>>, %arg7: memref<1024x512xi32, #tpu.memory_space<vmem>>, %arg8: memref<!tpu.dma_semaphore, #tpu.memory_space<semaphore_mem>>) attributes {dimension_semantics = [], scalar_prefetch = 0 : i64, scratch_operands = 2 : i64, tpu.core_type = #tpu.core_type<tc>} {
    tpu.enqueue_dma source(%arg2 : memref<1024x512xi32, #tpu.memory_space<any>>) target(%arg7 : memref<1024x512xi32, #tpu.memory_space<vmem>>) target_semaphore(%arg8 : memref<!tpu.dma_semaphore, #tpu.memory_space<semaphore_mem>>)
    %get3A = arith.constant 0 : index
    %get3A_0 = arith.constant 0 : index
    %get3A_1 = vector.load %arg0[%get3A, %get3A_0] : memref<32x3xf32, #tpu.memory_space<vmem>>, vector<32x3xf32>
    %logistic3A = arith.negf %get3A_1 : vector<32x3xf32>
    %logistic3A_2 = math.exp %logistic3A : vector<32x3xf32>
    %logistic3A_3 = arith.constant 1.000000e+00 : f32
    %logistic3A_4 = vector.broadcast %logistic3A_3 : f32 to vector<32x3xf32>
    %logistic3A_5 = arith.addf %logistic3A_4, %logistic3A_2 : vector<32x3xf32>
    %logistic3A_6 = arith.divf %logistic3A_4, %logistic3A_5 : vector<32x3xf32>
    %log3A = math.log %logistic3A_6 : vector<32x3xf32>
    %iota3A = tpu.iota {dimensions = array<i32: 0>} : vector<3x3xi32>
    %iota3A_7 = tpu.iota {dimensions = array<i32: 1>} : vector<3x3xi32>
    %eq3A = arith.cmpi eq, %iota3A, %iota3A_7 : vector<3x3xi32>
    %convert_element_type3A = arith.extui %eq3A : vector<3x3xi1> to vector<3x3xi32>
    %convert_element_type3A_8 = arith.sitofp %convert_element_type3A : vector<3x3xi32> to vector<3x3xf32>
    %dot_general3A = arith.constant dense<0.000000e+00> : vector<3x32xf32>
    %dot_general3A_9 = tpu.matmul %convert_element_type3A_8, %log3A, %dot_general3A {dimension_numbers = #tpu.dot_dimension_numbers<[1], [1], [0], [0], [0, 0, 1, 0], [], []>, precision = #tpu.contract_precision<fp32>, transpose_lhs_hint = false} : vector<3x3xf32>, vector<32x3xf32>, vector<3x32xf32> -> vector<3x32xf32>
    %slice3A = vector.extract_strided_slice %dot_general3A_9 {offsets = [0, 0], sizes = [1, 32], strides = [1, 1]} : vector<3x32xf32> to vector<1x32xf32>
    %slice3A_10 = vector.extract_strided_slice %dot_general3A_9 {offsets = [1, 0], sizes = [1, 32], strides = [1, 1]} : vector<3x32xf32> to vector<1x32xf32>
    %slice3A_11 = vector.extract_strided_slice %dot_general3A_9 {offsets = [2, 0], sizes = [1, 32], strides = [1, 1]} : vector<3x32xf32> to vector<1x32xf32>
    %reduce_sum3A = vector.shape_cast %slice3A : vector<1x32xf32> to vector<1x1x32xf32>
    %reduce_sum3A_12 = arith.constant dense<0.000000e+00> : vector<1xf32>
    %reduce_sum3A_13 = vector.multi_reduction <add>, %reduce_sum3A, %reduce_sum3A_12 [1, 2] : vector<1x1x32xf32> to vector<1xf32>
    %reduce_sum3A_14 = vector.shape_cast %reduce_sum3A_13 : vector<1xf32> to vector<1x1x1xf32>
    %reduce_sum3A_15 = vector.extract %reduce_sum3A_14[0, 0, 0] : f32 from vector<1x1x1xf32>
    %sub3A = arith.subf %slice3A_10, %slice3A : vector<1x32xf32>
    %mul3A = arith.constant 2.000000e+00 : f32
    %mul3A_16 = vector.broadcast %mul3A : f32 to vector<1x32xf32>
    %mul3A_17 = arith.mulf %mul3A_16, %slice3A_10 : vector<1x32xf32>
    %sub3A_18 = arith.subf %slice3A, %mul3A_17 : vector<1x32xf32>
    %add3A = arith.addf %sub3A_18, %slice3A_11 : vector<1x32xf32>
    %get3A_19 = arith.constant 0 : index
    %get3A_20 = arith.constant 0 : index
    %get3A_21 = vector.load %arg3[%get3A_19, %get3A_20] : memref<512x32xf32, #tpu.memory_space<vmem>>, vector<512x32xf32>
    %dot_general3A_22 = arith.constant dense<0.000000e+00> : vector<512x1xf32>
    %dot_general3A_23 = tpu.matmul %get3A_21, %sub3A, %dot_general3A_22 {dimension_numbers = #tpu.dot_dimension_numbers<[1], [1], [0], [0], [0, 0, 1, 0], [], []>, precision = #tpu.contract_precision<fp32>, transpose_lhs_hint = false} : vector<512x32xf32>, vector<1x32xf32>, vector<512x1xf32> -> vector<512x1xf32>
    %dot_general3A_24 = arith.constant dense<0.000000e+00> : vector<1x512xf32>
    %dot_general3A_25 = tpu.matmul %sub3A, %get3A_21, %dot_general3A_24 {dimension_numbers = #tpu.dot_dimension_numbers<[1], [1], [0], [0], [0, 0, 1, 0], [], []>, precision = #tpu.contract_precision<fp32>, transpose_lhs_hint = false} : vector<1x32xf32>, vector<512x32xf32>, vector<1x512xf32> -> vector<1x512xf32>
    %mul3A_26 = vector.broadcast %add3A : vector<1x32xf32> to vector<512x32xf32>
    %mul3A_27 = arith.mulf %get3A_21, %mul3A_26 : vector<512x32xf32>
    %dot_general3A_28 = arith.constant dense<0.000000e+00> : vector<512x512xf32>
    %dot_general3A_29 = tpu.matmul %mul3A_27, %get3A_21, %dot_general3A_28 {dimension_numbers = #tpu.dot_dimension_numbers<[1], [1], [0], [0], [0, 0, 1, 0], [], []>, precision = #tpu.contract_precision<fp32>, transpose_lhs_hint = false} : vector<512x32xf32>, vector<512x32xf32>, vector<512x512xf32> -> vector<512x512xf32>
    %add3A_30 = vector.broadcast %reduce_sum3A_15 : f32 to vector<512x1xf32>
    %add3A_31 = arith.addf %add3A_30, %dot_general3A_23 : vector<512x1xf32>
    %add3A_32 = vector.broadcast %add3A_31 : vector<512x1xf32> to vector<512x512xf32>
    %add3A_33 = vector.broadcast %dot_general3A_25 : vector<1x512xf32> to vector<512x512xf32>
    %add3A_34 = arith.addf %add3A_32, %add3A_33 : vector<512x512xf32>
    %add3A_35 = arith.addf %add3A_34, %dot_general3A_29 : vector<512x512xf32>
    %iota3A_36 = tpu.iota {dimensions = array<i32: 0>} : vector<512x512xi32>
    %iota3A_37 = tpu.iota {dimensions = array<i32: 1>} : vector<512x512xi32>
    %eq3A_38 = arith.cmpi eq, %iota3A_36, %iota3A_37 : vector<512x512xi32>
    %jit3A = arith.constant 0.000000e+00 : f32
    %broadcast_in_dim3A = vector.broadcast %jit3A : f32 to vector<512x512xf32>
    %select_n3A = arith.select %eq3A_38, %broadcast_in_dim3A, %add3A_35 : vector<512x512xi1>, vector<512x512xf32>
    %exp3A = math.exp %select_n3A : vector<512x512xf32>
    %get3A_39 = arith.constant 0 : index
    %get3A_40 = vector.load %arg1[%get3A_39] : memref<512xf32, #tpu.memory_space<vmem>>, vector<512xf32>
    %reshape3A = vector.shape_cast %get3A_40 : vector<512xf32> to vector<1x512xf32>
    %reduce_max3A = vector.shape_cast %reshape3A : vector<1x512xf32> to vector<1x1x512xf32>
    %reduce_max3A_41 = arith.constant dense<0xFF800000> : vector<1xf32>
    %reduce_max3A_42 = vector.multi_reduction <maximumf>, %reduce_max3A, %reduce_max3A_41 [1, 2] : vector<1x1x512xf32> to vector<1xf32>
    %reduce_max3A_43 = vector.shape_cast %reduce_max3A_42 : vector<1xf32> to vector<1x1x1xf32>
    %reduce_max3A_44 = vector.extract %reduce_max3A_43[0, 0, 0] : f32 from vector<1x1x1xf32>
    %sub3A_45 = vector.broadcast %reduce_max3A_44 : f32 to vector<1x512xf32>
    %sub3A_46 = arith.subf %reshape3A, %sub3A_45 : vector<1x512xf32>
    %exp3A_47 = math.exp %sub3A_46 : vector<1x512xf32>
    %reduce_sum3A_48 = vector.shape_cast %exp3A_47 : vector<1x512xf32> to vector<1x1x512xf32>
    %reduce_sum3A_49 = arith.constant dense<0.000000e+00> : vector<1xf32>
    %reduce_sum3A_50 = vector.multi_reduction <add>, %reduce_sum3A_48, %reduce_sum3A_49 [1, 2] : vector<1x1x512xf32> to vector<1xf32>
    %reduce_sum3A_51 = vector.shape_cast %reduce_sum3A_50 : vector<1xf32> to vector<1x1x1xf32>
    %reduce_sum3A_52 = vector.extract %reduce_sum3A_51[0, 0, 0] : f32 from vector<1x1x1xf32>
    %div3A = vector.broadcast %reduce_sum3A_52 : f32 to vector<1x512xf32>
    %div3A_53 = arith.divf %exp3A_47, %div3A : vector<1x512xf32>
    tpu.wait_dma2 semaphore(%arg8 : memref<!tpu.dma_semaphore, #tpu.memory_space<semaphore_mem>>) src(%arg2 : memref<1024x512xi32, #tpu.memory_space<any>>) dst(%arg7 : memref<1024x512xi32, #tpu.memory_space<vmem>>)
    %get3A_54 = arith.constant 0 : index
    %get3A_55 = arith.constant 0 : index
    %get3A_56 = vector.load %arg7[%get3A_54, %get3A_55] : memref<1024x512xi32, #tpu.memory_space<vmem>>, vector<1024x512xi32>
    %eq3A_57 = arith.constant 1 : i32
    %eq3A_58 = vector.broadcast %eq3A_57 : i32 to vector<1024x512xi32>
    %eq3A_59 = arith.cmpi eq, %get3A_56, %eq3A_58 : vector<1024x512xi32>
    %convert_element_type3A_60 = arith.extui %eq3A_59 : vector<1024x512xi1> to vector<1024x512xi32>
    %convert_element_type3A_61 = arith.sitofp %convert_element_type3A_60 : vector<1024x512xi32> to vector<1024x512xf32>
    %dot_general3A_62 = arith.constant dense<0.000000e+00> : vector<1024x1xf32>
    %dot_general3A_63 = tpu.matmul %convert_element_type3A_61, %div3A_53, %dot_general3A_62 {dimension_numbers = #tpu.dot_dimension_numbers<[1], [1], [0], [0], [0, 0, 1, 0], [], []>, precision = #tpu.contract_precision<fp32>, transpose_lhs_hint = false} : vector<1024x512xf32>, vector<1x512xf32>, vector<1024x1xf32> -> vector<1024x1xf32>
    %div3A_64 = vector.broadcast %div3A_53 : vector<1x512xf32> to vector<1024x512xf32>
    %div3A_65 = vector.broadcast %dot_general3A_63 : vector<1024x1xf32> to vector<1024x512xf32>
    %div3A_66 = arith.divf %div3A_64, %div3A_65 : vector<1024x512xf32>
    %mul3A_67 = arith.mulf %convert_element_type3A_61, %div3A_66 : vector<1024x512xf32>
    %dot_general3A_68 = arith.constant dense<0.000000e+00> : vector<1024x512xf32>
    %dot_general3A_69 = tpu.matmul %mul3A_67, %exp3A, %dot_general3A_68 {dimension_numbers = #tpu.dot_dimension_numbers<[1], [0], [0], [1], [0, 0, 1, 1], [], []>, transpose_lhs_hint = false} : vector<1024x512xf32>, vector<512x512xf32>, vector<1024x512xf32> -> vector<1024x512xf32>
    %gt3A = arith.constant 0.000000e+00 : f32
    %gt3A_70 = vector.broadcast %gt3A : f32 to vector<1024x512xf32>
    %gt3A_71 = arith.cmpf ogt, %convert_element_type3A_61, %gt3A_70 : vector<1024x512xf32>
    %sub3A_72 = arith.constant 1.000000e+00 : f32
    %sub3A_73 = vector.broadcast %sub3A_72 : f32 to vector<1024x512xf32>
    %sub3A_74 = arith.subf %sub3A_73, %dot_general3A_69 : vector<1024x512xf32>
    %select_n3A_75 = arith.select %gt3A_71, %dot_general3A_69, %sub3A_74 : vector<1024x512xi1>, vector<1024x512xf32>
    %log3A_76 = math.log %select_n3A_75 : vector<1024x512xf32>
    %reduce_sum3A_77 = vector.shape_cast %log3A_76 : vector<1024x512xf32> to vector<1x1024x512xf32>
    %reduce_sum3A_78 = arith.constant dense<0.000000e+00> : vector<1xf32>
    %reduce_sum3A_79 = vector.multi_reduction <add>, %reduce_sum3A_77, %reduce_sum3A_78 [1, 2] : vector<1x1024x512xf32> to vector<1xf32>
    %reduce_sum3A_80 = vector.shape_cast %reduce_sum3A_79 : vector<1xf32> to vector<1x1x1xf32>
    %reduce_sum3A_81 = vector.extract %reduce_sum3A_80[0, 0, 0] : f32 from vector<1x1x1xf32>
    %neg3A = arith.constant 0.000000e+00 : f32
    %neg3A_82 = arith.subf %neg3A, %reduce_sum3A_81 : f32
    %broadcast_in_dim3A_83 = arith.constant 1.000000e+00 : f32
    %broadcast_in_dim3A_84 = vector.broadcast %broadcast_in_dim3A_83 : f32 to vector<1x1024xf32>
    %broadcast_in_dim3A_85 = arith.constant 1.000000e+00 : f32
    %broadcast_in_dim3A_86 = vector.broadcast %broadcast_in_dim3A_85 : f32 to vector<1x512xf32>
    %dot_general3A_87 = arith.constant dense<0.000000e+00> : vector<1x512xf32>
    %dot_general3A_88 = tpu.matmul %broadcast_in_dim3A_84, %dot_general3A_69, %dot_general3A_87 {dimension_numbers = #tpu.dot_dimension_numbers<[1], [0], [0], [1], [0, 0, 1, 1], [], []>, transpose_lhs_hint = false} : vector<1x1024xf32>, vector<1024x512xf32>, vector<1x512xf32> -> vector<1x512xf32>
    %dot_general3A_89 = arith.constant dense<0.000000e+00> : vector<1x512xf32>
    %dot_general3A_90 = tpu.matmul %broadcast_in_dim3A_84, %convert_element_type3A_61, %dot_general3A_89 {dimension_numbers = #tpu.dot_dimension_numbers<[1], [0], [0], [1], [0, 0, 1, 1], [], []>, transpose_lhs_hint = false} : vector<1x1024xf32>, vector<1024x512xf32>, vector<1x512xf32> -> vector<1x512xf32>
    %dot_general3A_91 = arith.constant dense<0.000000e+00> : vector<1x1024xf32>
    %dot_general3A_92 = tpu.matmul %broadcast_in_dim3A_86, %dot_general3A_69, %dot_general3A_91 {dimension_numbers = #tpu.dot_dimension_numbers<[1], [1], [0], [0], [0, 0, 1, 0], [], []>, transpose_lhs_hint = false} : vector<1x512xf32>, vector<1024x512xf32>, vector<1x1024xf32> -> vector<1x1024xf32>
    %dot_general3A_93 = arith.constant dense<0.000000e+00> : vector<1x1024xf32>
    %dot_general3A_94 = tpu.matmul %broadcast_in_dim3A_86, %convert_element_type3A_61, %dot_general3A_93 {dimension_numbers = #tpu.dot_dimension_numbers<[1], [1], [0], [0], [0, 0, 1, 0], [], []>, transpose_lhs_hint = false} : vector<1x512xf32>, vector<1024x512xf32>, vector<1x1024xf32> -> vector<1x1024xf32>
    %transpose3A = tpu.transpose %dot_general3A_88, [1, 0] : vector<1x512xf32> -> vector<512x1xf32>
    %transpose3A_95 = tpu.transpose %dot_general3A_92, [1, 0] : vector<1x1024xf32> -> vector<1024x1xf32>
    %iota3A_96 = tpu.iota {dimensions = array<i32: 1>} : vector<1x512xi32>
    %convert_element_type3A_97 = arith.sitofp %iota3A_96 : vector<1x512xi32> to vector<1x512xf32>
    %iota3A_98 = tpu.iota {dimensions = array<i32: 1>} : vector<1x1024xi32>
    %convert_element_type3A_99 = arith.sitofp %iota3A_98 : vector<1x1024xi32> to vector<1x1024xf32>
    %mul3A_100 = arith.constant 2.048000e+03 : f32
    %mul3A_101 = vector.broadcast %mul3A_100 : f32 to vector<1x512xf32>
    %mul3A_102 = arith.mulf %dot_general3A_90, %mul3A_101 : vector<1x512xf32>
    %sub3A_103 = arith.constant 2.047000e+03 : f32
    %sub3A_104 = vector.broadcast %sub3A_103 : f32 to vector<1x512xf32>
    %sub3A_105 = arith.subf %sub3A_104, %convert_element_type3A_97 : vector<1x512xf32>
    %add3A_106 = arith.addf %mul3A_102, %sub3A_105 : vector<1x512xf32>
    %mul3A_107 = arith.constant 2.048000e+03 : f32
    %mul3A_108 = vector.broadcast %mul3A_107 : f32 to vector<1x1024xf32>
    %mul3A_109 = arith.mulf %dot_general3A_94, %mul3A_108 : vector<1x1024xf32>
    %sub3A_110 = arith.constant 2.047000e+03 : f32
    %sub3A_111 = vector.broadcast %sub3A_110 : f32 to vector<1x1024xf32>
    %sub3A_112 = arith.subf %sub3A_111, %convert_element_type3A_99 : vector<1x1024xf32>
    %add3A_113 = arith.addf %mul3A_109, %sub3A_112 : vector<1x1024xf32>
    %transpose3A_114 = tpu.transpose %add3A_106, [1, 0] : vector<1x512xf32> -> vector<512x1xf32>
    %transpose3A_115 = tpu.transpose %add3A_113, [1, 0] : vector<1x1024xf32> -> vector<1024x1xf32>
    %iota3A_116 = tpu.iota {dimensions = array<i32: 0>} : vector<512x512xi32>
    %iota3A_117 = tpu.iota {dimensions = array<i32: 1>} : vector<512x512xi32>
    %lt3A = arith.cmpi slt, %iota3A_116, %iota3A_117 : vector<512x512xi32>
    %iota3A_118 = tpu.iota {dimensions = array<i32: 0>} : vector<1024x1024xi32>
    %iota3A_119 = tpu.iota {dimensions = array<i32: 1>} : vector<1024x1024xi32>
    %lt3A_120 = arith.cmpi slt, %iota3A_118, %iota3A_119 : vector<1024x1024xi32>
    %broadcast_in_dim3A_121 = vector.broadcast %neg3A_82 : f32 to vector<1x16xf32>
    %swap3A = arith.constant 0 : index
    %swap3A_122 = arith.constant 0 : index
    %swap3A_123 = vector.load %arg4[%swap3A, %swap3A_122] : memref<1x16xf32, #tpu.memory_space<vmem>>, vector<1x16xf32>
    tpu.vector_store %arg4[%swap3A, %swap3A_122], %broadcast_in_dim3A_121 {strides = array<i32>} : memref<1x16xf32, #tpu.memory_space<vmem>>, vector<1x16xf32>,
    %swap3A_124 = arith.constant 0 : index
    %swap3A_125 = arith.constant 0 : index
    %swap3A_126 = vector.load %arg5[%swap3A_124, %swap3A_125] : memref<1x3072xf32, #tpu.memory_space<vmem>>, vector<1x512xf32>
    tpu.vector_store %arg5[%swap3A_124, %swap3A_125], %dot_general3A_88 {strides = array<i32>} : memref<1x3072xf32, #tpu.memory_space<vmem>>, vector<1x512xf32>,
    %swap3A_127 = arith.constant 0 : index
    %swap3A_128 = arith.constant 512 : index
    %swap3A_129 = vector.load %arg5[%swap3A_127, %swap3A_128] : memref<1x3072xf32, #tpu.memory_space<vmem>>, vector<1x512xf32>
    tpu.vector_store %arg5[%swap3A_127, %swap3A_128], %dot_general3A_90 {strides = array<i32>} : memref<1x3072xf32, #tpu.memory_space<vmem>>, vector<1x512xf32>,
    %swap3A_130 = arith.constant 0 : index
    %swap3A_131 = arith.constant 1024 : index
    %swap3A_132 = vector.load %arg5[%swap3A_130, %swap3A_131] : memref<1x3072xf32, #tpu.memory_space<vmem>>, vector<1x1024xf32>
    tpu.vector_store %arg5[%swap3A_130, %swap3A_131], %dot_general3A_92 {strides = array<i32>} : memref<1x3072xf32, #tpu.memory_space<vmem>>, vector<1x1024xf32>,
    %swap3A_133 = arith.constant 0 : index
    %swap3A_134 = arith.constant 2048 : index
    %swap3A_135 = vector.load %arg5[%swap3A_133, %swap3A_134] : memref<1x3072xf32, #tpu.memory_space<vmem>>, vector<1x1024xf32>
    tpu.vector_store %arg5[%swap3A_133, %swap3A_134], %dot_general3A_94 {strides = array<i32>} : memref<1x3072xf32, #tpu.memory_space<vmem>>, vector<1x1024xf32>,
    %gt3A_136 = vector.broadcast %transpose3A : vector<512x1xf32> to vector<512x512xf32>
    %gt3A_137 = vector.broadcast %dot_general3A_88 : vector<1x512xf32> to vector<512x512xf32>
    %gt3A_138 = arith.cmpf ogt, %gt3A_136, %gt3A_137 : vector<512x512xf32>
    %eq3A_139 = vector.broadcast %transpose3A : vector<512x1xf32> to vector<512x512xf32>
    %eq3A_140 = vector.broadcast %dot_general3A_88 : vector<1x512xf32> to vector<512x512xf32>
    %eq3A_141 = arith.cmpf oeq, %eq3A_139, %eq3A_140 : vector<512x512xf32>
    %and3A = arith.andi %eq3A_141, %lt3A : vector<512x512xi1>
    %or3A = arith.ori %gt3A_138, %and3A : vector<512x512xi1>
    %jit3A_142 = arith.constant 1.000000e+00 : f32
    %jit3A_143 = arith.constant 0.000000e+00 : f32
    %broadcast_in_dim3A_144 = vector.broadcast %jit3A_142 : f32 to vector<512x512xf32>
    %broadcast_in_dim3A_145 = vector.broadcast %jit3A_143 : f32 to vector<512x512xf32>
    %select_n3A_146 = arith.select %or3A, %broadcast_in_dim3A_144, %broadcast_in_dim3A_145 : vector<512x512xi1>, vector<512x512xf32>
    %dot_general3A_147 = arith.constant dense<0.000000e+00> : vector<1x512xf32>
    %dot_general3A_148 = tpu.matmul %broadcast_in_dim3A_86, %select_n3A_146, %dot_general3A_147 {dimension_numbers = #tpu.dot_dimension_numbers<[1], [0], [0], [1], [0, 0, 1, 1], [], []>, transpose_lhs_hint = false} : vector<1x512xf32>, vector<512x512xf32>, vector<1x512xf32> -> vector<1x512xf32>
    %convert_element_type3A_149 = arith.fptosi %dot_general3A_148 : vector<1x512xf32> to vector<1x512xi32>
    %swap3A_150 = arith.constant 0 : index
    %swap3A_151 = arith.constant 0 : index
    %swap3A_152 = vector.load %arg6[%swap3A_150, %swap3A_151] : memref<1x3072xi32, #tpu.memory_space<vmem>>, vector<1x512xi32>
    tpu.vector_store %arg6[%swap3A_150, %swap3A_151], %convert_element_type3A_149 {strides = array<i32>} : memref<1x3072xi32, #tpu.memory_space<vmem>>, vector<1x512xi32>,
    %gt3A_153 = vector.broadcast %transpose3A_114 : vector<512x1xf32> to vector<512x512xf32>
    %gt3A_154 = vector.broadcast %add3A_106 : vector<1x512xf32> to vector<512x512xf32>
    %gt3A_155 = arith.cmpf ogt, %gt3A_153, %gt3A_154 : vector<512x512xf32>
    %jit3A_156 = arith.constant 1.000000e+00 : f32
    %jit3A_157 = arith.constant 0.000000e+00 : f32
    %broadcast_in_dim3A_158 = vector.broadcast %jit3A_156 : f32 to vector<512x512xf32>
    %broadcast_in_dim3A_159 = vector.broadcast %jit3A_157 : f32 to vector<512x512xf32>
    %select_n3A_160 = arith.select %gt3A_155, %broadcast_in_dim3A_158, %broadcast_in_dim3A_159 : vector<512x512xi1>, vector<512x512xf32>
    %dot_general3A_161 = arith.constant dense<0.000000e+00> : vector<1x512xf32>
    %dot_general3A_162 = tpu.matmul %broadcast_in_dim3A_86, %select_n3A_160, %dot_general3A_161 {dimension_numbers = #tpu.dot_dimension_numbers<[1], [0], [0], [1], [0, 0, 1, 1], [], []>, transpose_lhs_hint = false} : vector<1x512xf32>, vector<512x512xf32>, vector<1x512xf32> -> vector<1x512xf32>
    %convert_element_type3A_163 = arith.fptosi %dot_general3A_162 : vector<1x512xf32> to vector<1x512xi32>
    %swap3A_164 = arith.constant 0 : index
    %swap3A_165 = arith.constant 512 : index
    %swap3A_166 = vector.load %arg6[%swap3A_164, %swap3A_165] : memref<1x3072xi32, #tpu.memory_space<vmem>>, vector<1x512xi32>
    tpu.vector_store %arg6[%swap3A_164, %swap3A_165], %convert_element_type3A_163 {strides = array<i32>} : memref<1x3072xi32, #tpu.memory_space<vmem>>, vector<1x512xi32>,
    %gt3A_167 = vector.broadcast %transpose3A_95 : vector<1024x1xf32> to vector<1024x1024xf32>
    %gt3A_168 = vector.broadcast %dot_general3A_92 : vector<1x1024xf32> to vector<1024x1024xf32>
    %gt3A_169 = arith.cmpf ogt, %gt3A_167, %gt3A_168 : vector<1024x1024xf32>
    %eq3A_170 = vector.broadcast %transpose3A_95 : vector<1024x1xf32> to vector<1024x1024xf32>
    %eq3A_171 = vector.broadcast %dot_general3A_92 : vector<1x1024xf32> to vector<1024x1024xf32>
    %eq3A_172 = arith.cmpf oeq, %eq3A_170, %eq3A_171 : vector<1024x1024xf32>
    %and3A_173 = arith.andi %eq3A_172, %lt3A_120 : vector<1024x1024xi1>
    %or3A_174 = arith.ori %gt3A_169, %and3A_173 : vector<1024x1024xi1>
    %jit3A_175 = arith.constant 1.000000e+00 : f32
    %jit3A_176 = arith.constant 0.000000e+00 : f32
    %broadcast_in_dim3A_177 = vector.broadcast %jit3A_175 : f32 to vector<1024x1024xf32>
    %broadcast_in_dim3A_178 = vector.broadcast %jit3A_176 : f32 to vector<1024x1024xf32>
    %select_n3A_179 = arith.select %or3A_174, %broadcast_in_dim3A_177, %broadcast_in_dim3A_178 : vector<1024x1024xi1>, vector<1024x1024xf32>
    %dot_general3A_180 = arith.constant dense<0.000000e+00> : vector<1x1024xf32>
    %dot_general3A_181 = tpu.matmul %broadcast_in_dim3A_84, %select_n3A_179, %dot_general3A_180 {dimension_numbers = #tpu.dot_dimension_numbers<[1], [0], [0], [1], [0, 0, 1, 1], [], []>, transpose_lhs_hint = false} : vector<1x1024xf32>, vector<1024x1024xf32>, vector<1x1024xf32> -> vector<1x1024xf32>
    %convert_element_type3A_182 = arith.fptosi %dot_general3A_181 : vector<1x1024xf32> to vector<1x1024xi32>
    %swap3A_183 = arith.constant 0 : index
    %swap3A_184 = arith.constant 1024 : index
    %swap3A_185 = vector.load %arg6[%swap3A_183, %swap3A_184] : memref<1x3072xi32, #tpu.memory_space<vmem>>, vector<1x1024xi32>
    tpu.vector_store %arg6[%swap3A_183, %swap3A_184], %convert_element_type3A_182 {strides = array<i32>} : memref<1x3072xi32, #tpu.memory_space<vmem>>, vector<1x1024xi32>,
    %gt3A_186 = vector.broadcast %transpose3A_115 : vector<1024x1xf32> to vector<1024x1024xf32>
    %gt3A_187 = vector.broadcast %add3A_113 : vector<1x1024xf32> to vector<1024x1024xf32>
    %gt3A_188 = arith.cmpf ogt, %gt3A_186, %gt3A_187 : vector<1024x1024xf32>
    %jit3A_189 = arith.constant 1.000000e+00 : f32
    %jit3A_190 = arith.constant 0.000000e+00 : f32
    %broadcast_in_dim3A_191 = vector.broadcast %jit3A_189 : f32 to vector<1024x1024xf32>
    %broadcast_in_dim3A_192 = vector.broadcast %jit3A_190 : f32 to vector<1024x1024xf32>
    %select_n3A_193 = arith.select %gt3A_188, %broadcast_in_dim3A_191, %broadcast_in_dim3A_192 : vector<1024x1024xi1>, vector<1024x1024xf32>
    %dot_general3A_194 = arith.constant dense<0.000000e+00> : vector<1x1024xf32>
    %dot_general3A_195 = tpu.matmul %broadcast_in_dim3A_84, %select_n3A_193, %dot_general3A_194 {dimension_numbers = #tpu.dot_dimension_numbers<[1], [0], [0], [1], [0, 0, 1, 1], [], []>, transpose_lhs_hint = false} : vector<1x1024xf32>, vector<1024x1024xf32>, vector<1x1024xf32> -> vector<1x1024xf32>
    %convert_element_type3A_196 = arith.fptosi %dot_general3A_195 : vector<1x1024xf32> to vector<1x1024xi32>
    %swap3A_197 = arith.constant 0 : index
    %swap3A_198 = arith.constant 2048 : index
    %swap3A_199 = vector.load %arg6[%swap3A_197, %swap3A_198] : memref<1x3072xi32, #tpu.memory_space<vmem>>, vector<1x1024xi32>
    tpu.vector_store %arg6[%swap3A_197, %swap3A_198], %convert_element_type3A_196 {strides = array<i32>} : memref<1x3072xi32, #tpu.memory_space<vmem>>, vector<1x1024xi32>,
    return
  }
}

</mosaic_0001>

<sc_bundles>
// kernel: _run.4.cloned.1.call-start
scs
__scs_entry_jumppad:
0x0: {  	(pc) =	sbr.rel $0x88, $3  }
0x1: {  	(tag) =	ssettag $0x0;
	lr =	simm.s32 $0x1  }
0x2: {  	[smem:$0x3F9D] =	sst lr;
	_ =	strace $0xD0000000  }
0x3: {  	_ = 	snop  }
0x4: {  	_ = 	snop  }
0x5: {  	_ = 	snop  }
0x6: {  	_ = 	snop  }
0x7: {  	_ = 	snop  }
__scs_overlays_trampoline_lowered:
0x8: {  	[smem:$0x3FAC] =	sst s0  }
0x9: {  	[smem:$0x3FAD] =	sst s1  }
0xa: {  	[smem:$0x3FAE] =	sst s2  }
0xb: {  	[smem:$0x3FAF] =	sst s3  }
0xc: {  	[smem:$0x3FB0] =	sst s4  }
0xd: {  	[smem:$0x3FB1] =	sst s5  }
0xe: {  	[smem:$0x3FB2] =	sst s6  }
0xf: {  	[smem:$0x3FB3] =	sst s7  }
0x10: {  	[smem:$0x3FB4] =	sst s8  }
0x11: {  	[smem:$0x3FB5] =	sst s9;
	s0 =	simm.s32 @!p0 $0x0  }
0x12: {  	s1 =	sld [smem:$0x3F9B];
	s0 =	simm.s32 @p0 $0x1  }
0x13: {  	[smem:$0x3FB6] =	sst s0;
	s0 =	simm.s32 @!p1 $0x0  }
0x14: {  	s2 =	sld [smem:$0x3F9A];
	s0 =	simm.s32 @p1 $0x1  }
0x15: {  	[smem:$0x3FB7] =	sst s0;
	s0 =	simm.s32 @!p2 $0x0  }
0x16: {  	s3 =	sld [smem:$0x3FDB];
	s0 =	simm.s32 @p2 $0x1  }
0x17: {  	s4 =	simm.s32 $0x1BF5;
	[smem:$0x3FB9] =	sst s0  }
0x18: {  	s0 =	sld [smem:$0x3F9C];
	_ =	swait.ge [sflag:s4], $0x0  }
0x19: {  	s7 =	sld [smem:$0x3F9D]  }
0x1a: {  	s8 =	sadd.s32 $0xFFFFE003, lr  }
0x1b: {  	s9 =	sadd.s32 $0xFFFFFEF7, lr;
	s5 =	simm.s32 $0xFFFFFFFF;
	p2 =	slt.u32 s8, $0xFFFFF086  }
0x1c: {  	p1 =	slt.u32 s9, $0xF7A;
	s5 =	simm.s32 @!p2 $0x0  }
0x1d: {  	s5 =	simm.s32 @p1 $0x1;
	p0 =	seq.s32 s7, s2  }
0x1e: {  	s7 =	smul.u32 @!p0 $0xF7A, s2;
	p2 =	seq.s32 @!p0 s5, $0x0  }
0x1f: {  	s9 =	smul.u32 $0xF7A, s1;
	s8 =	simm.s32 @!p0 $0x1BF5;
	p2 =	por !p2, p0  }
0x20: {  	[sflag:s8] =	ssyncset.s32 @!p0 $0xFFFFF086;
	s6 =	sadd.s32 @!p0 s3, s7;
	s7 =	simm.s32 @!p0 $0x108  }
0x21: {  	s3 =	sadd.s32 s3, s9;
	s6 =	sadd.s32 @!p0 $0x88, s6;
	s7 =	simm.s32 @p2 $0x1082  }
0x22: {  	[simem:s7], [sflag:s8] =	dma.local @!p0 [hbm:s6], $0xF7A  }
0x23: {  	s9 =	sor.u32 $0xD0000000, s2;
	s6 =	simm.s32 $0x108;
	_ =	swait.ge @!p0 [sflag:s8], $0x0  }
0x24: {  	s3 =	sadd.s32 $0x88, s3;
	s6 =	simm.s32 @!p1 $0x1082;
	[sflag:s4] =	ssyncset.s32 $0xFFFFF086  }
0x25: {  	[simem:s6], [sflag:s4] =	dma.local [hbm:s3], $0xF7A  }
0x26: {  	[smem:$0x3F9D] =	sst s1;
	(tag) =	ssettag s2;
	_ =	strace s9  }
0x27: {  	s1 =	sld [smem:$0x3FAD]  }
0x28: {  	s2 =	sld [smem:$0x3FAE]  }
0x29: {  	s4 =	sld [smem:$0x3FB0]  }
0x2a: {  	p0 =	seq.s32 s5, $0x0;
	s5 =	sld [smem:$0x3FB1]  }
0x2b: {  	s6 =	sld [smem:$0x3FB2]  }
0x2c: {  	s7 =	sld [smem:$0x3FB3]  }
0x2d: {  	s3 =	simm.s32 $0x108;
	s8 =	sld [smem:$0x3FB4]  }
0x2e: {  	s3 =	simm.s32 @!p0 $0x1082;
	s9 =	sld [smem:$0x3FB5]  }
0x2f: {  	lr =	sadd.s32 s0, s3;
	s0 =	sld [smem:$0x3FAC]  }
0x30: {  	s3 =	sld [smem:$0x3FAF]  }
0x31: {  	[smem:$0x3FB8] =	sst s10  }
0x32: {  	s10 =	sld [smem:$0x3FB6];
	_ =	sdelay $0x3  }
0x33: {  	p0 =	seq.s32 s10, $0x1;
	s10 =	sld [smem:$0x3FB8];
	_ =	sdelay $0x3  }
0x34: {  	[smem:$0x3FB8] =	sst s10  }
0x35: {  	s10 =	sld [smem:$0x3FB7];
	_ =	sdelay $0x3  }
0x36: {  	p1 =	seq.s32 s10, $0x1;
	s10 =	sld [smem:$0x3FB8];
	_ =	sdelay $0x3  }
0x37: {  	[smem:$0x3FB8] =	sst s10  }
0x38: {  	s10 =	sld [smem:$0x3FB9]  }
0x39: {  	_ = 	snop;
	(pc) =	sbr.ind lr, $3  }
0x3a: {  	_ = 	snop  }
0x3b: {  	_ = 	snop  }
0x3c: {  	p2 =	seq.s32 s10, $0x1;
	s10 =	sld [smem:$0x3FB8]  }
0x3d: {  	_ =	shalt  }
0x3e: {  	_ =	shalt  }
0x3f: {  	_ =	shalt  }
0x40: {  	_ =	shalt  }
0x41: {  	_ =	shalt  }
0x42: {  	_ =	shalt  }
0x43: {  	_ =	shalt  }
0x44: {  	_ =	shalt  }
0x45: {  	_ =	shalt  }
0x46: {  	_ =	shalt  }
0x47: {  	_ =	shalt  }
0x48: {  	_ =	shalt  }
0x49: {  	_ =	shalt  }
0x4a: {  	_ =	shalt  }
0x4b: {  	_ =	shalt  }
0x4c: {  	_ =	shalt  }
0x4d: {  	_ =	shalt  }
0x4e: {  	_ =	shalt  }
0x4f: {  	_ =	shalt  }
0x50: {  	_ =	shalt  }
0x51: {  	_ =	shalt  }
0x52: {  	_ =	shalt  }
0x53: {  	_ =	shalt  }
0x54: {  	_ =	shalt  }
0x55: {  	_ =	shalt  }
0x56: {  	_ =	shalt  }
0x57: {  	_ =	shalt  }
0x58: {  	_ =	shalt  }
0x59: {  	_ =	shalt  }
0x5a: {  	_ =	shalt  }
0x5b: {  	_ =	shalt  }
0x5c: {  	_ =	shalt  }
0x5d: {  	_ =	shalt  }
0x5e: {  	_ =	shalt  }
0x5f: {  	_ =	shalt  }
0x60: {  	_ =	shalt  }
0x61: {  	_ =	shalt  }
0x62: {  	_ =	shalt  }
0x63: {  	_ =	shalt  }
0x64: {  	_ =	shalt  }
0x65: {  	_ =	shalt  }
0x66: {  	_ =	shalt  }
0x67: {  	_ =	shalt  }
0x68: {  	_ =	shalt  }
0x69: {  	_ =	shalt  }
0x6a: {  	_ =	shalt  }
0x6b: {  	_ =	shalt  }
0x6c: {  	_ =	shalt  }
0x6d: {  	_ =	shalt  }
0x6e: {  	_ =	shalt  }
0x6f: {  	_ =	shalt  }
0x70: {  	_ =	shalt  }
0x71: {  	_ =	shalt  }
0x72: {  	_ =	shalt  }
0x73: {  	_ =	shalt  }
0x74: {  	_ =	shalt  }
0x75: {  	_ =	shalt  }
0x76: {  	_ =	shalt  }
0x77: {  	_ =	shalt  }
0x78: {  	_ =	shalt  }
0x79: {  	_ =	shalt  }
0x7a: {  	_ =	shalt  }
0x7b: {  	_ =	shalt  }
0x7c: {  	_ =	shalt  }
0x7d: {  	_ =	shalt  }
0x7e: {  	_ =	shalt  }
0x7f: {  	_ =	shalt  }
0x80: {  	_ =	shalt  }
0x81: {  	_ =	shalt  }
0x82: {  	_ =	shalt  }
0x83: {  	_ =	shalt  }
0x84: {  	_ =	shalt  }
0x85: {  	_ =	shalt  }
0x86: {  	_ =	shalt  }
0x87: {  	_ =	shalt  }
.Lfunc_end0:
.L_simem_size_0:
called_computation_lowered:
.L_overlay_start_0:
0x88: {  	s2 =	sld [smem:$0x3FD9]  }
0x89: {  	s3 =	sld [smem:$0x3FFE];
	_ =	sdelay $0x1  }
0x8a: {  	s1 =	srdreg.scid  }
0x8b: {  	s0 =	sand.u32 $0x1, s1  }
0x8c: {  	s17 =	sshll.u32 s0, $0xA;
	s2 =	sadd.s32 s3, s2  }
0x8d: {  	s2 =	sadd.s32 s2, s17  }
0x8e: {  	[smem:$0x3FC4] =	sst s2  }
0x8f: {  	_ = 	snop  }
0x90: {  	s2 =	sld [smem:$0x3FD0];
	(tm) =	ssettm $0x1  }
0x91: {  	s18 =	sld [smem:$0x3FFB];
	_ =	sdelay $0x3  }
0x92: {  	_ =	strace s18  }
0x93: {  	s3 =	sld [smem:$0x3FFC];
	_ =	sdelay $0x3  }
0x94: {  	_ =	strace s3  }
0x95: {  	s3 =	sld [smem:$0x3FFD];
	_ =	sdelay $0x3  }
0x96: {  	_ =	strace s3  }
0x97: {  	_ =	strace $0x8FFFFFFF  }
0x98: {  	s19 =	sld [smem:$0x3FDB];
	_ =	sdelay $0x1  }
0x99: {  	s4 =	simm.s32 $_scs_section_size  }
0x9a: {  	s5 =	simm.s32 $_size__tile_overlayer_lowered;
	s6 =	simm.s32 $_tile_overlayer_lowered  }
0x9b: {  	s22 =	simm.s32 $0x1BFF;
	s21 =	sshll.u32 s6, $0x1;
	s3 =	sadd.s32 s4, s19  }
0x9c: {  	s7 =	simm.s32 $0x0;
	s20 =	sshll.u32 s5, $0x1;
	s5 =	sadd.s32 s21, s3  }
0x9d: {  	[timem:s7], [sflag:s22] =	dma.local [hbm:s5], s20  }
0x9e: {  	_ =	swait.ge [sflag:s22], s20  }
0x9f: {  	s4 =	ssub.s32 $0x0, s20;
	[sflag:s22] =	ssyncset.done $0x0  }
0xa0: {  	[sflag:s22] =	ssyncadd.s32 s4;
	_ =	sdelay $0x1  }
0xa1: {  	s23 =	simm.s32 $0x1B8B  }
0xa2: {  	_ =	swait.ge [sflag:s23], $0x1  }
0xa3: {  	[sflag:s23] =	ssyncset.done $0x0  }
0xa4: {  	s25 =	simm.s32 $0x1B8E;
	s24 =	sld [smem:$0x3FFE];
	[sflag:s23] =	ssyncadd.s32 $0xFFFFFFFF  }
0xa5: {  	s26 =	simm.s32 $execute0_lowered;
	[smem:$0x3FD2] =	sst s25  }
0xa6: {  	s5 =	sshll.u32 s26, $0x1;
	_ =	strace $0x80000046;
	[dreg:$0x1] =	wrdreg $0xFFFFFFFF  }
0xa7: {  	s28 =	simm.s32 $_size_execute0_lowered;
	s3 =	sadd.s32 s3, s5;
	[dreg:$0x0] =	wrdreg $0x0  }
0xa8: {  	s5 =	sshll.u32 s28, $0x1;
	[dreg:$0x2] =	wrdreg s3  }
0xa9: {  	[dreg:$0x3] =	wrdreg s5  }
0xaa: {  	[dreg:$0x4] =	wrdreg $0xC0  }
0xab: {  	_ =	task [dreg:s7], $0x5FFFF  }
0xac: {  	[dreg:$0x1] =	wrdreg $0xFFFFFFFF  }
0xad: {  	[dreg:$0x0] =	wrdreg $0x60  }
0xae: {  	[dreg:$0x2] =	wrdreg s24  }
0xaf: {  	[dreg:$0x3] =	wrdreg s2  }
0xb0: {  	[dreg:$0x4] =	wrdreg $0x9  }
0xb1: {  	_ =	task.clear_ibuf [dreg:s7], $0x5FFFF;
	_ =	strace $0x90000046  }
0xb2: {  	s29 =	simm.s32 $0x9;
	_ =	strace $0x80000048  }
0xb3: {  	_ =	swait.ge [sflag:s29], $0x1  }
0xb4: {  	[sflag:s29] =	ssyncadd.s32 $0xFFFFFFFF  }
0xb5: {  	_ =	strace $0x90000048  }
0xb6: {  	_ =	sfence  }
0xb7: {  	s30 =	sld [smem:$0x0];
	_ =	sdelay $0x2  }
0xb8: {  	s31 =	sshll.u32 s1, $0xD;
	s1 =	sshrl.u32 s1, $0x2  }
0xb9: {  	s3 =	sand.u32 $0x4000, s31;
	s1 =	sadd.s32 s1, s30  }
0xba: {  	s0 =	sor.u32 s3, s0;
	s1 =	sshll.u32 s1, $0x11  }
0xbb: {  	s0 =	sor.u32 s1, s0  }
0xbc: {  	s0 =	sadd.s32 $0x8F2B, s0  }
0xbd: {  	[sflag:s0] =	ssyncadd.remote.s32 $0x1  }
0xbe: {  	_ =	sfence.sel $0xFFFF  }
0xbf: {  	[dreg:$0x0] =	wrdreg $0xFFFFFFFF;
	(pc) =	sbr.abs _section_cstart, $3  }
0xc0: {  	[dreg:$0x1] =	wrdreg $0xFFFFFFFF  }
0xc1: {  	_ =	task.clear_ibuf [dreg:s7], $0x2FFFF;
	_ =	strace $0x9FFFFFFF  }
0xc2: {  	(tm) =	ssettm $0x7FFFFFFF  }
0xc3: {  	_ =	shalt  }
tec
execute0_lowered:
.L_overlay_start_1:
0x0: {  	(tag) =	ssettag $0x1  }
0x1: {  	s4 =	stileid.u32  }
0x2: {  	p0 =	sne.s32 s4, $0x0  }
.Ltmp0:
0x3: {  	_ = 	snop;
	(pc) =	sbr.rel @p0 .LBB2_7-.Ltmp0, $4  }
0x4: {  	s3 =	rddreg [dreg:$0x0]  }
0x5: {  	s1 =	rddreg [dreg:$0x1];
	s2 =	simm.s32 $0x0  }
0x6: {  	[smem:$0x7FF] =	sst s2  }
0x7: {  	s0 =	rddreg [dreg:$0x2];
	_ =	strace $0x80000047  }
0x8: {  	s4 =	srdreg.scid;
	s8 =	sadd.s32 $0x1200, s3;
	s9 =	sadd.s32 $0x1400, s3  }
0x9: {  	s13 =	simm.s32 $0x3;
	s14 =	simm.s32 $0x1000;
	s15 =	simm.s32 $0x1400  }
0xa: {  	s17 =	simm.s32 $0x4;
	s18 =	simm.s32 $0x0;
	s7 =	sand.u32 $0x1, s4  }
0xb: {  	s6 =	scvt.s32.f32 s7;
	s4 =	sshll.u32 s7, $0x8;
	s11 =	sadd.s32 $0x1, s7  }
0xc: {  	s12 =	ssub.s32 $0x2, s7;
	s31 =	sshll.u32 s7, $0x7;
	s10 =	sadd.s32 s4, s3  }
0xd: {  	s3 =	sshll.u32 s11, $0x9;
	s29 =	sshrl.u32 s12, $0x1;
	s7 =	sadd.s32 s9, s31  }
0xe: {  	s8 =	sadd.s32 s8, s31;
	s5 =	smul.f32 $-9.765625000e-04, s6;
	s16 =	ssub.f32 $1.000000000e+00, s6  }
0xf: {  	s6 =	sadd.s32 $0x1600, s10;
	s30 =	ssub.s32 s12, s29;
	s10 =	simm.s32 $0x1880  }
0x10: {  	s12 =	simm.s32 $0x2;
	s9 =	smax.u32 s30, $0x1;
	s4 =	sadd.f32 $1.953125000e-03, s5  }
0x11: {  	v1 =	vimm.f32 $0.0e+00;
	s5 =	sshll.u32 s11, $0x5;
	s11 =	simm.s32 $0x1;
	v0 =	vmov s16;
	s16 =	simm.s32 $0x1900  }
.LBB2_2:
0x12: {  	s19 =	simm.s32 $0x0  }
0x13: {  	[tilespmem:s19], [sflag:$0x1] =	stream.linear.gather [hbm4b:s8+s19], $0x800, $0x38;
	[tilespmem:$0x1980] =	vst v63  }
0x14: {  	s20 =	simm.s32 $0x800  }
0x15: {  	[tilespmem:s20], [sflag:$0x2] =	stream.linear.gather [hbm4b:s7+s19], $0x800, $0x38;
	[tilespmem:$0x1980] =	vst v63  }
0x16: {  	_ = 	snop  }
0x17: {  	[tilespmem:s10], [sflag:$0x3] =	stream.linear.gather [hbm4b:s1+s19], $0x80, $0x38;
	[tilespmem:$0x1980] =	vst v63  }
0x18: {  	[tilespmem:$0x1800] =	vst v1  }
0x19: {  	_ =	swait.ge [sflag:s11], $0x800  }
0x1a: {  	[sflag:s11] =	ssyncset.done $0x0  }
0x1b: {  	[sflag:s11] =	ssyncadd.s32 $0xFFFFF800  }
0x1c: {  	_ =	swait.ge [sflag:s12], $0x800  }
0x1d: {  	[sflag:s12] =	ssyncset.done $0x0  }
0x1e: {  	[sflag:s12] =	ssyncadd.s32 $0xFFFFF800  }
0x1f: {  	_ =	swait.ge [sflag:s13], $0x80  }
0x20: {  	[sflag:s13] =	ssyncset.done $0x0  }
0x21: {  	[sflag:s13] =	ssyncadd.s32 $0xFFFFFF80  }
0x22: {  	v2 =	vld [tilespmem:s20+$0x0];
	_ =	sdelay $0x2  }
0x23: {  	v3 =	vld [tilespmem:s19+$0x0];
	_ =	sdelay $0x2  }
0x24: {  	s21 =	sadd.s32 $0x0, s3  }
0x25: {  	p1 =	seq.s32 s3, $0x10;
	s21 =	sand.u32 $0xFFFFFF80, s21;
	s22 =	sand.u32 $0x70, s19  }
.Ltmp1:
0x26: {  	s22 =	sor.u32 s22, s21;
	[tilespmem:v2+s14+$0x0] =	vst.idx.msk $0xffff, v3;
	(pc) =	sbr.rel @p1 .LBB2_4-.Ltmp1, $2  }
0x27: {  	v2 =	vld [tilespmem:s22+$0x800];
	_ =	sdelay $0x2  }
0x28: {  	s21 =	simm.s32 $0x10;
	v3 =	vld [tilespmem:s22+$0x0]  }
.LBB2_3:
0x29: {  	_ =	sdelay $0x2  }
0x2a: {  	s20 =	sadd.s32 $0x10, s20  }
0x2b: {  	s19 =	sadd.s32 $0x10, s19;
	s22 =	smov.u32 s21;
	s21 =	sadd.s32 $0x10, s21;
	[tilespmem:v2+s15+$0x0] =	vst.idx.msk $0xffff, v3  }
0x2c: {  	p1 =	seq.s32 s3, s21;
	v2 =	vld [tilespmem:s20+$0x0];
	_ =	sdelay $0x2  }
0x2d: {  	v3 =	vld [tilespmem:s19+$0x0];
	_ =	sdelay $0x2  }
0x2e: {  	s23 =	sadd.s32 s22, s3  }
0x2f: {  	s22 =	sand.u32 $0x70, s22;
	s23 =	sand.u32 $0xFFFFFF80, s23  }
.Ltmp2:
0x30: {  	s22 =	sor.u32 s22, s23;
	[tilespmem:v2+s14+$0x0] =	vst.idx.msk $0xffff, v3;
	(pc) =	sbr.rel @!p1 .LBB2_3-.Ltmp2, $2  }
0x31: {  	v2 =	vld [tilespmem:s22+$0x800];
	_ =	sdelay $0x2  }
0x32: {  	v3 =	vld [tilespmem:s22+$0x0]  }
.LBB2_4:
0x33: {  	_ =	sdelay $0x2  }
0x34: {  	p1 =	sne.s32 s5, $0x1  }
.Ltmp3:
0x35: {  	_ = 	snop;
	(pc) =	sbr.rel @!p1 .LBB2_6-.Ltmp3, $4  }
0x36: {  	[tilespmem:v2+s15+$0x0] =	vst.idx.msk $0xffff, v3  }
0x37: {  	s20 =	simm.s32 $0x1400;
	v2 =	vld [tilespmem:$0x1800]  }
0x38: {  	s19 =	simm.s32 $0x1000;
	v3 =	vld [tilespmem:s20+$0x0]  }
0x39: {  	s21 =	sadd.s32 $0xFFFFFFFF, s5;
	v4 =	vld [tilespmem:s19+$0x0]  }
.LBB2_5:
0x3a: {  	p1 =	sne.s32 s21, $0x1;
	_ =	sdelay $0x3  }
0x3b: {  	v3 =	vsub.f32 v4, v3;
	_ =	sdelay $0x1  }
0x3c: {  	v3 =	vmul.f32 v3, v3;
	_ =	sdelay $0x1  }
.Ltmp4:
0x3d: {  	v2 =	vadd.f32 v3, v2;
	(pc) =	sbr.rel @p1 .LBB2_5-.Ltmp4, $4  }
0x3e: {  	_ = 	snop  }
0x3f: {  	s20 =	sadd.s32 $0x10, s20;
	[tilespmem:$0x1800] =	vst v2  }
0x40: {  	s19 =	sadd.s32 $0x10, s19;
	v3 =	vld [tilespmem:s20+$0x0]  }
0x41: {  	s21 =	sadd.s32 $0xFFFFFFFF, s21;
	v4 =	vld [tilespmem:s19+$0x0]  }
.LBB2_6:
0x42: {  	_ =	sdelay $0x3  }
0x43: {  	v3 =	vsub.f32 v4, v3;
	_ =	sdelay $0x1  }
0x44: {  	v3 =	vmul.f32 v3, v3;
	_ =	sdelay $0x1  }
0x45: {  	v2 =	vadd.f32 v3, v2;
	_ =	sdelay $0x1  }
0x46: {  	(xrf2) =	vadd.scan.msk.f32 $0xffff, v2;
	_ =	sdelay $0x9  }
0x47: {  	v3, _, _ =	vpop (xrf2)  }
0x48: {  	(v2sf) =	vpush v3, $0xF;
	_ =	sdelay $0xa  }
0x49: {  	v3 =	vld [tilespmem:$0x1880];
	_ =	sdelay $0x3  }
0x4a: {  	s19 =	spop (v2sf)  }
0x4b: {  	v3 =	vmul.f32 v3, v0;
	s19 =	smul.f32 s19, s4;
	_ =	sdelay $0x1  }
0x4c: {  	s18 =	sadd.s32 $0x1, s18;
	v3 =	vadd.f32 s19, v3  }
0x4d: {  	p1 =	sne.s32 s18, s9;
	[tilespmem:$0x1800] =	vst v2  }
.Ltmp5:
0x4e: {  	[tilespmem:$0x1900] =	vst v3;
	(pc) =	sbr.rel @p1 .LBB2_2-.Ltmp5, $4  }
0x4f: {  	[hbm4b:s6+s2] =	stream.linear.scatter [tilespmem:s16], [sflag:$0x4], $0x80, $0x38;
	[tilespmem:$0x1980] =	vst v63  }
0x50: {  	_ =	swait.ge [sflag:s17], $0x80  }
0x51: {  	[sflag:s17] =	ssyncset.done $0x0  }
0x52: {  	[sflag:s17] =	ssyncadd.s32 $0xFFFFFF80  }
.LBB2_7:
0x53: {  	_ =	sfence.sel $0x180000  }
0x54: {  	[bflag:$0x0] =	sbarrier.arrive $0xFFFF  }
0x55: {  	_ =	strace $0x90000047  }
0x56: {  	s0 =	sadd.s32 @!p0 $0x100000, s0;
	[bflag:$0x2] =	sbarrier.arrive $0xFFFF  }
0x57: {  	[sflag:s0] =	ssyncadd.tile.s32 @!p0 $0x1;
	_ =	shalt  }
.Lfunc_end2:
_tile_overlayer_lowered:
.L_overlay_start_2:
0x58: {  	(tag) =	ssettag $0x2  }
0x59: {  	s0 =	rddreg [dreg:$0x0];
	s2 =	stileid.u32  }
0x5a: {  	s1 =	rddreg [dreg:$0x1];
	p0 =	sne.s32 s2, $0x0  }
0x5b: {  	s3 =	rddreg [dreg:$0x2];
	[bflag:$0x3] =	sbarrier.arrive $0xFFFF;
	s2 =	simm.s32 @!p0 $0x1C04  }
0x5c: {  	[timem:s3], [sflag:s2] =	dma.local @!p0 [hbm:s0], s1  }
0x5d: {  	s0 =	simm.s32 @!p0 $0x4  }
0x5e: {  	_ =	swait.ge @!p0 [sflag:s0], s1  }
0x5f: {  	s1 =	ssub.s32 @!p0 $0x0, s1;
	[sflag:s0] =	ssyncset.done @!p0 $0x0  }
0x60: {  	[sflag:s0] =	ssyncadd.s32 @!p0 s1  }
0x61: {  	[bflag:$0x3] =	sbarrier.arrive $0xFFFF  }
0x62: {  	_ =	shalt  }

</sc_bundles>
